<compile_context>
chip_gen: v7x
topology: tpu7x:2x2x1
jax: 0.10.2.dev20260603
libtpu: 0.0.44.dev20260713+nightly
codegen_flags: <defaults>
</compile_context>

<pallas_src>
import functools

import jax
import jax.numpy as jnp
from jax import lax
from jax.experimental import pallas as pl
from jax.experimental.pallas import tpu as pltpu
from jax.experimental.pallas import tpu_sc as plsc

BATCH = 1024
SEQ = 200
DIM = 128

NUM_IDS = BATCH * SEQ
NC, NS = 2, 16
NW = NC * NS
IDS_PER_W = NUM_IDS // NW
CHUNK = 64
N_CHUNKS = IDS_PER_W // CHUNK
NBUF = 10
assert N_CHUNKS % NBUF == 0


def _sc_gather(W, flat_ids):
    mesh = plsc.VectorSubcoreMesh(core_axis_name="c", subcore_axis_name="s")

    @functools.partial(
        pl.kernel,
        mesh=mesh,
        out_type=jax.ShapeDtypeStruct((NUM_IDS, DIM), W.dtype),
        scratch_types=[
            pltpu.VMEM((IDS_PER_W,), jnp.int32),
            pltpu.VMEM((NBUF, CHUNK, DIM), jnp.float32),
            pltpu.SemaphoreType.DMA((NBUF,)),
            pltpu.SemaphoreType.DMA((NBUF,)),
        ],
    )
    def gather_kernel(w_hbm, ids_hbm, out_hbm, idx_v, rows_v, gsem, osem):
        wid = lax.axis_index("s") * NC + lax.axis_index("c")
        base = wid * IDS_PER_W
        pltpu.sync_copy(ids_hbm.at[pl.ds(base, IDS_PER_W)], idx_v)

        def start_gather(k, b):
            pltpu.make_async_copy(
                w_hbm.at[idx_v.at[pl.ds(k * CHUNK, CHUNK)]],
                rows_v.at[b],
                gsem.at[b],
            ).start()

        def wait_gather(k, b):
            pltpu.make_async_copy(
                w_hbm.at[idx_v.at[pl.ds(k * CHUNK, CHUNK)]],
                rows_v.at[b],
                gsem.at[b],
            ).wait()

        def out_copy(k, b):
            return pltpu.make_async_copy(
                rows_v.at[b],
                out_hbm.at[pl.ds(base + k * CHUNK, CHUNK)],
                osem.at[b],
            )

        for b in range(NBUF):
            start_gather(b, b)

        @pl.loop(0, N_CHUNKS, step=NBUF)
        def _(c):
            for b in range(NBUF):
                k = c + b
                wait_gather(k, b)
                out_copy(k, b).start()

                @pl.when(k + NBUF < N_CHUNKS)
                def _():
                    out_copy(k, b).wait()
                    start_gather(k + NBUF, b)

        for b in range(NBUF):
            out_copy(N_CHUNKS - NBUF + b, b).wait()

    return gather_kernel(W, flat_ids)


def kernel(input_ids, attention_mask, W):
    flat_ids = input_ids.reshape(NUM_IDS)
    out = _sc_gather(W, flat_ids)
    token_embeddings = out.reshape(BATCH, SEQ, DIM)
    return (input_ids, token_embeddings, attention_mask)

# --- scband reference (transcript-rebuilt; emitter-appended) ---
"""Pipeline reference for scband-word-llama-embedding-37993280700567 (READ-ONLY COPY).

The authoritative reference and input builder live on the scoring server;
editing this copy changes nothing except your own understanding.
"""

import jax, jax.numpy as jnp
import numpy as np

BATCH = 1024
SEQ = 200
VOCAB = 100000
DIM = 128

def setup_inputs(seed: int = 0) -> dict:
    key = jax.random.key(seed)
    k1, k2 = jax.random.split(key)
    input_ids = jax.random.randint(k1, (BATCH, SEQ), 0, VOCAB, dtype=jnp.int32)
    attention_mask = jnp.ones((BATCH, SEQ), dtype=jnp.int32)
    # Learned parameter: nn.Embedding(n_vocab, dim) weight table
    W = jax.random.normal(k2, (VOCAB, DIM), dtype=jnp.float32)
    return {"input_ids": input_ids, "attention_mask": attention_mask, "W": W}

def reference(input_ids, attention_mask, W):
    # Faithful translation of WordLlamaEmbedding.forward:
    # returns {'token_ids': input_ids, 'token_embeddings': embedding(input_ids), 'attention_mask': attention_mask}
    token_embeddings = jnp.take(W, input_ids, axis=0)
    return (input_ids, token_embeddings, attention_mask)

if __name__ == "__main__":
    import jax
    _d = setup_inputs()
    print(jax.jit(kernel)(*tuple(_d.values())))

</pallas_src>

<mosaic_0001>
#map = affine_map<(d0, d1) -> (0, 0)>
#map1 = affine_map<(d0, d1) -> (0)>
module attributes {stable_mosaic.version = 14 : i64} {
  func.func @gather_kernel(%arg0: i32, %arg1: i32, %arg2: memref<100000x128xf32, #tpu.memory_space<hbm>>, %arg3: memref<204800xi32, #tpu.memory_space<hbm>>, %arg4: memref<204800x128xf32, #tpu.memory_space<hbm>>, %arg5: memref<6400xi32, #tpu.memory_space<vmem>>, %arg6: memref<10x64x128xf32, #tpu.memory_space<vmem>>, %arg7: memref<10x!tpu.dma_semaphore, #tpu.memory_space<semaphore_mem>>, %arg8: memref<10x!tpu.dma_semaphore, #tpu.memory_space<semaphore_mem>>) attributes {dimension_semantics = [#tpu.dimension_semantics<core_parallel>, #tpu.dimension_semantics<subcore_parallel>], iteration_bounds = array<i64: 2, 16>, scalar_prefetch = 0 : i64, scratch_operands = 4 : i64, tpu.core_type = #tpu.core_type<sc_vector_subcore>, window_params = [{transform_indices = #map}, {transform_indices = #map1}, {transform_indices = #map}]} {
    %mul3A = arith.constant 2 : i32
    %mul3A_0 = arith.muli %arg1, %mul3A : i32
    %add3A = arith.addi %mul3A_0, %arg0 : i32
    %mul3A_1 = arith.constant 6400 : i32
    %mul3A_2 = arith.muli %add3A, %mul3A_1 : i32
    "tpu.region"() ({
      %run_scoped3A = tpu.sem_alloc : memref<!tpu.dma_semaphore, #tpu.memory_space<semaphore_mem>>
      %dma_start3A_315 = tpu.memref_slice %arg3[%mul3A_2] : memref<204800xi32, #tpu.memory_space<hbm>> -> memref<6400xi32, #tpu.memory_space<hbm>>
      %dma_start3A_316 = tpu.memref_slice %arg3[%mul3A_2] : memref<204800xi32, #tpu.memory_space<hbm>> -> memref<6400xi32, #tpu.memory_space<hbm>>
      tpu.enqueue_dma source(%dma_start3A_316 : memref<6400xi32, #tpu.memory_space<hbm>>) target(%arg5 : memref<6400xi32, #tpu.memory_space<vmem>>) target_semaphore(%run_scoped3A : memref<!tpu.dma_semaphore, #tpu.memory_space<semaphore_mem>>)
      %dma_wait3A_317 = tpu.memref_slice %arg3[%mul3A_2] : memref<204800xi32, #tpu.memory_space<hbm>> -> memref<6400xi32, #tpu.memory_space<hbm>>
      %dma_wait3A_318 = tpu.memref_slice %arg3[%mul3A_2] : memref<204800xi32, #tpu.memory_space<hbm>> -> memref<6400xi32, #tpu.memory_space<hbm>>
      tpu.wait_dma2 semaphore(%run_scoped3A : memref<!tpu.dma_semaphore, #tpu.memory_space<semaphore_mem>>) src(%dma_wait3A_318 : memref<6400xi32, #tpu.memory_space<hbm>>) dst(%arg5 : memref<6400xi32, #tpu.memory_space<vmem>>)
      tpu.yield
    }) : () -> ()
    %dma_start3A = arith.constant 0 : i32
    %dma_start3A_3 = arith.constant 0 : i32
    %dma_start3A_4 = arith.constant 0 : i32
    %dma_start3A_5 = arith.constant 0 : i32
    %dma_start3A_6 = tpu.memref_slice %arg6[%dma_start3A, %dma_start3A_4, %dma_start3A_5] : memref<10x64x128xf32, #tpu.memory_space<vmem>> -> memref<1x64x128xf32, #tpu.memory_space<vmem>>
    %dma_start3A_7 = tpu.memref_squeeze %dma_start3A_6 : memref<1x64x128xf32, #tpu.memory_space<vmem>> -> memref<64x128xf32, #tpu.memory_space<vmem>>
    %dma_start3A_8 = arith.constant 0 : i32
    %dma_start3A_9 = tpu.memref_slice %arg5[%dma_start3A_8] : memref<6400xi32, #tpu.memory_space<vmem>> -> memref<64xi32, #tpu.memory_space<vmem>>
    %dma_start3A_10 = arith.constant 0 : i32
    %dma_start3A_11 = arith.constant 0 : i32
    %dma_start3A_12 = tpu.memref_slice %arg2[%dma_start3A_10, %dma_start3A_11] : memref<100000x128xf32, #tpu.memory_space<hbm>> -> memref<100000x128xf32, #tpu.memory_space<hbm>>
    %dma_start3A_13 = tpu.memref_slice %arg7[%dma_start3A_3] : memref<10x!tpu.dma_semaphore, #tpu.memory_space<semaphore_mem>> -> memref<1x!tpu.dma_semaphore, #tpu.memory_space<semaphore_mem>>
    %dma_start3A_14 = tpu.memref_squeeze %dma_start3A_13 : memref<1x!tpu.dma_semaphore, #tpu.memory_space<semaphore_mem>> -> memref<!tpu.dma_semaphore, #tpu.memory_space<semaphore_mem>>
    tpu.enqueue_indirect_dma source(%dma_start3A_12 : memref<100000x128xf32, #tpu.memory_space<hbm>>) target(%dma_start3A_7 : memref<64x128xf32, #tpu.memory_space<vmem>>) offsets(%dma_start3A_9 : memref<64xi32, #tpu.memory_space<vmem>>) semaphore(%dma_start3A_14 : memref<!tpu.dma_semaphore, #tpu.memory_space<semaphore_mem>>)
    %dma_start3A_15 = arith.constant 1 : i32
    %dma_start3A_16 = arith.constant 1 : i32
    %dma_start3A_17 = arith.constant 0 : i32
    %dma_start3A_18 = arith.constant 0 : i32
    %dma_start3A_19 = tpu.memref_slice %arg6[%dma_start3A_15, %dma_start3A_17, %dma_start3A_18] : memref<10x64x128xf32, #tpu.memory_space<vmem>> -> memref<1x64x128xf32, #tpu.memory_space<vmem>>
    %dma_start3A_20 = tpu.memref_squeeze %dma_start3A_19 : memref<1x64x128xf32, #tpu.memory_space<vmem>> -> memref<64x128xf32, #tpu.memory_space<vmem>>
    %dma_start3A_21 = arith.constant 64 : i32
    %dma_start3A_22 = tpu.memref_slice %arg5[%dma_start3A_21] : memref<6400xi32, #tpu.memory_space<vmem>> -> memref<64xi32, #tpu.memory_space<vmem>>
    %dma_start3A_23 = arith.constant 0 : i32
    %dma_start3A_24 = arith.constant 0 : i32
    %dma_start3A_25 = tpu.memref_slice %arg2[%dma_start3A_23, %dma_start3A_24] : memref<100000x128xf32, #tpu.memory_space<hbm>> -> memref<100000x128xf32, #tpu.memory_space<hbm>>
    %dma_start3A_26 = tpu.memref_slice %arg7[%dma_start3A_16] : memref<10x!tpu.dma_semaphore, #tpu.memory_space<semaphore_mem>> -> memref<1x!tpu.dma_semaphore, #tpu.memory_space<semaphore_mem>>
    %dma_start3A_27 = tpu.memref_squeeze %dma_start3A_26 : memref<1x!tpu.dma_semaphore, #tpu.memory_space<semaphore_mem>> -> memref<!tpu.dma_semaphore, #tpu.memory_space<semaphore_mem>>
    tpu.enqueue_indirect_dma source(%dma_start3A_25 : memref<100000x128xf32, #tpu.memory_space<hbm>>) target(%dma_start3A_20 : memref<64x128xf32, #tpu.memory_space<vmem>>) offsets(%dma_start3A_22 : memref<64xi32, #tpu.memory_space<vmem>>) semaphore(%dma_start3A_27 : memref<!tpu.dma_semaphore, #tpu.memory_space<semaphore_mem>>)
    %dma_start3A_28 = arith.constant 2 : i32
    %dma_start3A_29 = arith.constant 2 : i32
    %dma_start3A_30 = arith.constant 0 : i32
    %dma_start3A_31 = arith.constant 0 : i32
    %dma_start3A_32 = tpu.memref_slice %arg6[%dma_start3A_28, %dma_start3A_30, %dma_start3A_31] : memref<10x64x128xf32, #tpu.memory_space<vmem>> -> memref<1x64x128xf32, #tpu.memory_space<vmem>>
    %dma_start3A_33 = tpu.memref_squeeze %dma_start3A_32 : memref<1x64x128xf32, #tpu.memory_space<vmem>> -> memref<64x128xf32, #tpu.memory_space<vmem>>
    %dma_start3A_34 = arith.constant 128 : i32
    %dma_start3A_35 = tpu.memref_slice %arg5[%dma_start3A_34] : memref<6400xi32, #tpu.memory_space<vmem>> -> memref<64xi32, #tpu.memory_space<vmem>>
    %dma_start3A_36 = arith.constant 0 : i32
    %dma_start3A_37 = arith.constant 0 : i32
    %dma_start3A_38 = tpu.memref_slice %arg2[%dma_start3A_36, %dma_start3A_37] : memref<100000x128xf32, #tpu.memory_space<hbm>> -> memref<100000x128xf32, #tpu.memory_space<hbm>>
    %dma_start3A_39 = tpu.memref_slice %arg7[%dma_start3A_29] : memref<10x!tpu.dma_semaphore, #tpu.memory_space<semaphore_mem>> -> memref<1x!tpu.dma_semaphore, #tpu.memory_space<semaphore_mem>>
    %dma_start3A_40 = tpu.memref_squeeze %dma_start3A_39 : memref<1x!tpu.dma_semaphore, #tpu.memory_space<semaphore_mem>> -> memref<!tpu.dma_semaphore, #tpu.memory_space<semaphore_mem>>
    tpu.enqueue_indirect_dma source(%dma_start3A_38 : memref<100000x128xf32, #tpu.memory_space<hbm>>) target(%dma_start3A_33 : memref<64x128xf32, #tpu.memory_space<vmem>>) offsets(%dma_start3A_35 : memref<64xi32, #tpu.memory_space<vmem>>) semaphore(%dma_start3A_40 : memref<!tpu.dma_semaphore, #tpu.memory_space<semaphore_mem>>)
    %dma_start3A_41 = arith.constant 3 : i32
    %dma_start3A_42 = arith.constant 3 : i32
    %dma_start3A_43 = arith.constant 0 : i32
    %dma_start3A_44 = arith.constant 0 : i32
    %dma_start3A_45 = tpu.memref_slice %arg6[%dma_start3A_41, %dma_start3A_43, %dma_start3A_44] : memref<10x64x128xf32, #tpu.memory_space<vmem>> -> memref<1x64x128xf32, #tpu.memory_space<vmem>>
    %dma_start3A_46 = tpu.memref_squeeze %dma_start3A_45 : memref<1x64x128xf32, #tpu.memory_space<vmem>> -> memref<64x128xf32, #tpu.memory_space<vmem>>
    %dma_start3A_47 = arith.constant 192 : i32
    %dma_start3A_48 = tpu.memref_slice %arg5[%dma_start3A_47] : memref<6400xi32, #tpu.memory_space<vmem>> -> memref<64xi32, #tpu.memory_space<vmem>>
    %dma_start3A_49 = arith.constant 0 : i32
    %dma_start3A_50 = arith.constant 0 : i32
    %dma_start3A_51 = tpu.memref_slice %arg2[%dma_start3A_49, %dma_start3A_50] : memref<100000x128xf32, #tpu.memory_space<hbm>> -> memref<100000x128xf32, #tpu.memory_space<hbm>>
    %dma_start3A_52 = tpu.memref_slice %arg7[%dma_start3A_42] : memref<10x!tpu.dma_semaphore, #tpu.memory_space<semaphore_mem>> -> memref<1x!tpu.dma_semaphore, #tpu.memory_space<semaphore_mem>>
    %dma_start3A_53 = tpu.memref_squeeze %dma_start3A_52 : memref<1x!tpu.dma_semaphore, #tpu.memory_space<semaphore_mem>> -> memref<!tpu.dma_semaphore, #tpu.memory_space<semaphore_mem>>
    tpu.enqueue_indirect_dma source(%dma_start3A_51 : memref<100000x128xf32, #tpu.memory_space<hbm>>) target(%dma_start3A_46 : memref<64x128xf32, #tpu.memory_space<vmem>>) offsets(%dma_start3A_48 : memref<64xi32, #tpu.memory_space<vmem>>) semaphore(%dma_start3A_53 : memref<!tpu.dma_semaphore, #tpu.memory_space<semaphore_mem>>)
    %dma_start3A_54 = arith.constant 4 : i32
    %dma_start3A_55 = arith.constant 4 : i32
    %dma_start3A_56 = arith.constant 0 : i32
    %dma_start3A_57 = arith.constant 0 : i32
    %dma_start3A_58 = tpu.memref_slice %arg6[%dma_start3A_54, %dma_start3A_56, %dma_start3A_57] : memref<10x64x128xf32, #tpu.memory_space<vmem>> -> memref<1x64x128xf32, #tpu.memory_space<vmem>>
    %dma_start3A_59 = tpu.memref_squeeze %dma_start3A_58 : memref<1x64x128xf32, #tpu.memory_space<vmem>> -> memref<64x128xf32, #tpu.memory_space<vmem>>
    %dma_start3A_60 = arith.constant 256 : i32
    %dma_start3A_61 = tpu.memref_slice %arg5[%dma_start3A_60] : memref<6400xi32, #tpu.memory_space<vmem>> -> memref<64xi32, #tpu.memory_space<vmem>>
    %dma_start3A_62 = arith.constant 0 : i32
    %dma_start3A_63 = arith.constant 0 : i32
    %dma_start3A_64 = tpu.memref_slice %arg2[%dma_start3A_62, %dma_start3A_63] : memref<100000x128xf32, #tpu.memory_space<hbm>> -> memref<100000x128xf32, #tpu.memory_space<hbm>>
    %dma_start3A_65 = tpu.memref_slice %arg7[%dma_start3A_55] : memref<10x!tpu.dma_semaphore, #tpu.memory_space<semaphore_mem>> -> memref<1x!tpu.dma_semaphore, #tpu.memory_space<semaphore_mem>>
    %dma_start3A_66 = tpu.memref_squeeze %dma_start3A_65 : memref<1x!tpu.dma_semaphore, #tpu.memory_space<semaphore_mem>> -> memref<!tpu.dma_semaphore, #tpu.memory_space<semaphore_mem>>
    tpu.enqueue_indirect_dma source(%dma_start3A_64 : memref<100000x128xf32, #tpu.memory_space<hbm>>) target(%dma_start3A_59 : memref<64x128xf32, #tpu.memory_space<vmem>>) offsets(%dma_start3A_61 : memref<64xi32, #tpu.memory_space<vmem>>) semaphore(%dma_start3A_66 : memref<!tpu.dma_semaphore, #tpu.memory_space<semaphore_mem>>)
    %dma_start3A_67 = arith.constant 5 : i32
    %dma_start3A_68 = arith.constant 5 : i32
    %dma_start3A_69 = arith.constant 0 : i32
    %dma_start3A_70 = arith.constant 0 : i32
    %dma_start3A_71 = tpu.memref_slice %arg6[%dma_start3A_67, %dma_start3A_69, %dma_start3A_70] : memref<10x64x128xf32, #tpu.memory_space<vmem>> -> memref<1x64x128xf32, #tpu.memory_space<vmem>>
    %dma_start3A_72 = tpu.memref_squeeze %dma_start3A_71 : memref<1x64x128xf32, #tpu.memory_space<vmem>> -> memref<64x128xf32, #tpu.memory_space<vmem>>
    %dma_start3A_73 = arith.constant 320 : i32
    %dma_start3A_74 = tpu.memref_slice %arg5[%dma_start3A_73] : memref<6400xi32, #tpu.memory_space<vmem>> -> memref<64xi32, #tpu.memory_space<vmem>>
    %dma_start3A_75 = arith.constant 0 : i32
    %dma_start3A_76 = arith.constant 0 : i32
    %dma_start3A_77 = tpu.memref_slice %arg2[%dma_start3A_75, %dma_start3A_76] : memref<100000x128xf32, #tpu.memory_space<hbm>> -> memref<100000x128xf32, #tpu.memory_space<hbm>>
    %dma_start3A_78 = tpu.memref_slice %arg7[%dma_start3A_68] : memref<10x!tpu.dma_semaphore, #tpu.memory_space<semaphore_mem>> -> memref<1x!tpu.dma_semaphore, #tpu.memory_space<semaphore_mem>>
    %dma_start3A_79 = tpu.memref_squeeze %dma_start3A_78 : memref<1x!tpu.dma_semaphore, #tpu.memory_space<semaphore_mem>> -> memref<!tpu.dma_semaphore, #tpu.memory_space<semaphore_mem>>
    tpu.enqueue_indirect_dma source(%dma_start3A_77 : memref<100000x128xf32, #tpu.memory_space<hbm>>) target(%dma_start3A_72 : memref<64x128xf32, #tpu.memory_space<vmem>>) offsets(%dma_start3A_74 : memref<64xi32, #tpu.memory_space<vmem>>) semaphore(%dma_start3A_79 : memref<!tpu.dma_semaphore, #tpu.memory_space<semaphore_mem>>)
    %dma_start3A_80 = arith.constant 6 : i32
    %dma_start3A_81 = arith.constant 6 : i32
    %dma_start3A_82 = arith.constant 0 : i32
    %dma_start3A_83 = arith.constant 0 : i32
    %dma_start3A_84 = tpu.memref_slice %arg6[%dma_start3A_80, %dma_start3A_82, %dma_start3A_83] : memref<10x64x128xf32, #tpu.memory_space<vmem>> -> memref<1x64x128xf32, #tpu.memory_space<vmem>>
    %dma_start3A_85 = tpu.memref_squeeze %dma_start3A_84 : memref<1x64x128xf32, #tpu.memory_space<vmem>> -> memref<64x128xf32, #tpu.memory_space<vmem>>
    %dma_start3A_86 = arith.constant 384 : i32
    %dma_start3A_87 = tpu.memref_slice %arg5[%dma_start3A_86] : memref<6400xi32, #tpu.memory_space<vmem>> -> memref<64xi32, #tpu.memory_space<vmem>>
    %dma_start3A_88 = arith.constant 0 : i32
    %dma_start3A_89 = arith.constant 0 : i32
    %dma_start3A_90 = tpu.memref_slice %arg2[%dma_start3A_88, %dma_start3A_89] : memref<100000x128xf32, #tpu.memory_space<hbm>> -> memref<100000x128xf32, #tpu.memory_space<hbm>>
    %dma_start3A_91 = tpu.memref_slice %arg7[%dma_start3A_81] : memref<10x!tpu.dma_semaphore, #tpu.memory_space<semaphore_mem>> -> memref<1x!tpu.dma_semaphore, #tpu.memory_space<semaphore_mem>>
    %dma_start3A_92 = tpu.memref_squeeze %dma_start3A_91 : memref<1x!tpu.dma_semaphore, #tpu.memory_space<semaphore_mem>> -> memref<!tpu.dma_semaphore, #tpu.memory_space<semaphore_mem>>
    tpu.enqueue_indirect_dma source(%dma_start3A_90 : memref<100000x128xf32, #tpu.memory_space<hbm>>) target(%dma_start3A_85 : memref<64x128xf32, #tpu.memory_space<vmem>>) offsets(%dma_start3A_87 : memref<64xi32, #tpu.memory_space<vmem>>) semaphore(%dma_start3A_92 : memref<!tpu.dma_semaphore, #tpu.memory_space<semaphore_mem>>)
    %dma_start3A_93 = arith.constant 7 : i32
    %dma_start3A_94 = arith.constant 7 : i32
    %dma_start3A_95 = arith.constant 0 : i32
    %dma_start3A_96 = arith.constant 0 : i32
    %dma_start3A_97 = tpu.memref_slice %arg6[%dma_start3A_93, %dma_start3A_95, %dma_start3A_96] : memref<10x64x128xf32, #tpu.memory_space<vmem>> -> memref<1x64x128xf32, #tpu.memory_space<vmem>>
    %dma_start3A_98 = tpu.memref_squeeze %dma_start3A_97 : memref<1x64x128xf32, #tpu.memory_space<vmem>> -> memref<64x128xf32, #tpu.memory_space<vmem>>
    %dma_start3A_99 = arith.constant 448 : i32
    %dma_start3A_100 = tpu.memref_slice %arg5[%dma_start3A_99] : memref<6400xi32, #tpu.memory_space<vmem>> -> memref<64xi32, #tpu.memory_space<vmem>>
    %dma_start3A_101 = arith.constant 0 : i32
    %dma_start3A_102 = arith.constant 0 : i32
    %dma_start3A_103 = tpu.memref_slice %arg2[%dma_start3A_101, %dma_start3A_102] : memref<100000x128xf32, #tpu.memory_space<hbm>> -> memref<100000x128xf32, #tpu.memory_space<hbm>>
    %dma_start3A_104 = tpu.memref_slice %arg7[%dma_start3A_94] : memref<10x!tpu.dma_semaphore, #tpu.memory_space<semaphore_mem>> -> memref<1x!tpu.dma_semaphore, #tpu.memory_space<semaphore_mem>>
    %dma_start3A_105 = tpu.memref_squeeze %dma_start3A_104 : memref<1x!tpu.dma_semaphore, #tpu.memory_space<semaphore_mem>> -> memref<!tpu.dma_semaphore, #tpu.memory_space<semaphore_mem>>
    tpu.enqueue_indirect_dma source(%dma_start3A_103 : memref<100000x128xf32, #tpu.memory_space<hbm>>) target(%dma_start3A_98 : memref<64x128xf32, #tpu.memory_space<vmem>>) offsets(%dma_start3A_100 : memref<64xi32, #tpu.memory_space<vmem>>) semaphore(%dma_start3A_105 : memref<!tpu.dma_semaphore, #tpu.memory_space<semaphore_mem>>)
    %dma_start3A_106 = arith.constant 8 : i32
    %dma_start3A_107 = arith.constant 8 : i32
    %dma_start3A_108 = arith.constant 0 : i32
    %dma_start3A_109 = arith.constant 0 : i32
    %dma_start3A_110 = tpu.memref_slice %arg6[%dma_start3A_106, %dma_start3A_108, %dma_start3A_109] : memref<10x64x128xf32, #tpu.memory_space<vmem>> -> memref<1x64x128xf32, #tpu.memory_space<vmem>>
    %dma_start3A_111 = tpu.memref_squeeze %dma_start3A_110 : memref<1x64x128xf32, #tpu.memory_space<vmem>> -> memref<64x128xf32, #tpu.memory_space<vmem>>
    %dma_start3A_112 = arith.constant 512 : i32
    %dma_start3A_113 = tpu.memref_slice %arg5[%dma_start3A_112] : memref<6400xi32, #tpu.memory_space<vmem>> -> memref<64xi32, #tpu.memory_space<vmem>>
    %dma_start3A_114 = arith.constant 0 : i32
    %dma_start3A_115 = arith.constant 0 : i32
    %dma_start3A_116 = tpu.memref_slice %arg2[%dma_start3A_114, %dma_start3A_115] : memref<100000x128xf32, #tpu.memory_space<hbm>> -> memref<100000x128xf32, #tpu.memory_space<hbm>>
    %dma_start3A_117 = tpu.memref_slice %arg7[%dma_start3A_107] : memref<10x!tpu.dma_semaphore, #tpu.memory_space<semaphore_mem>> -> memref<1x!tpu.dma_semaphore, #tpu.memory_space<semaphore_mem>>
    %dma_start3A_118 = tpu.memref_squeeze %dma_start3A_117 : memref<1x!tpu.dma_semaphore, #tpu.memory_space<semaphore_mem>> -> memref<!tpu.dma_semaphore, #tpu.memory_space<semaphore_mem>>
    tpu.enqueue_indirect_dma source(%dma_start3A_116 : memref<100000x128xf32, #tpu.memory_space<hbm>>) target(%dma_start3A_111 : memref<64x128xf32, #tpu.memory_space<vmem>>) offsets(%dma_start3A_113 : memref<64xi32, #tpu.memory_space<vmem>>) semaphore(%dma_start3A_118 : memref<!tpu.dma_semaphore, #tpu.memory_space<semaphore_mem>>)
    %dma_start3A_119 = arith.constant 9 : i32
    %dma_start3A_120 = arith.constant 9 : i32
    %dma_start3A_121 = arith.constant 0 : i32
    %dma_start3A_122 = arith.constant 0 : i32
    %dma_start3A_123 = tpu.memref_slice %arg6[%dma_start3A_119, %dma_start3A_121, %dma_start3A_122] : memref<10x64x128xf32, #tpu.memory_space<vmem>> -> memref<1x64x128xf32, #tpu.memory_space<vmem>>
    %dma_start3A_124 = tpu.memref_squeeze %dma_start3A_123 : memref<1x64x128xf32, #tpu.memory_space<vmem>> -> memref<64x128xf32, #tpu.memory_space<vmem>>
    %dma_start3A_125 = arith.constant 576 : i32
    %dma_start3A_126 = tpu.memref_slice %arg5[%dma_start3A_125] : memref<6400xi32, #tpu.memory_space<vmem>> -> memref<64xi32, #tpu.memory_space<vmem>>
    %dma_start3A_127 = arith.constant 0 : i32
    %dma_start3A_128 = arith.constant 0 : i32
    %dma_start3A_129 = tpu.memref_slice %arg2[%dma_start3A_127, %dma_start3A_128] : memref<100000x128xf32, #tpu.memory_space<hbm>> -> memref<100000x128xf32, #tpu.memory_space<hbm>>
    %dma_start3A_130 = tpu.memref_slice %arg7[%dma_start3A_120] : memref<10x!tpu.dma_semaphore, #tpu.memory_space<semaphore_mem>> -> memref<1x!tpu.dma_semaphore, #tpu.memory_space<semaphore_mem>>
    %dma_start3A_131 = tpu.memref_squeeze %dma_start3A_130 : memref<1x!tpu.dma_semaphore, #tpu.memory_space<semaphore_mem>> -> memref<!tpu.dma_semaphore, #tpu.memory_space<semaphore_mem>>
    tpu.enqueue_indirect_dma source(%dma_start3A_129 : memref<100000x128xf32, #tpu.memory_space<hbm>>) target(%dma_start3A_124 : memref<64x128xf32, #tpu.memory_space<vmem>>) offsets(%dma_start3A_126 : memref<64xi32, #tpu.memory_space<vmem>>) semaphore(%dma_start3A_131 : memref<!tpu.dma_semaphore, #tpu.memory_space<semaphore_mem>>)
    %scan3A = arith.constant 0 : i32
    %scan3A_132 = arith.constant 10 : i32
    %scan3A_133 = arith.addi %scan3A, %scan3A_132 : i32
    %scan3A_134 = arith.constant 1 : i32
    scf.for %scan3A_315 = %scan3A to %scan3A_133 step %scan3A_134  : i32 {
      %mul3A_316 = arith.constant 10 : i32
      %mul3A_317 = arith.muli %scan3A_315, %mul3A_316 : i32
      %add3A_318 = arith.constant 0 : i32
      %add3A_319 = arith.addi %add3A_318, %mul3A_317 : i32
      %add3A_320 = arith.constant 0 : i32
      %add3A_321 = arith.addi %add3A_319, %add3A_320 : i32
      %mul3A_322 = arith.constant 64 : i32
      %mul3A_323 = arith.muli %add3A_321, %mul3A_322 : i32
      %dma_wait3A_324 = arith.constant 0 : i32
      %dma_wait3A_325 = arith.constant 0 : i32
      %dma_wait3A_326 = arith.constant 0 : i32
      %dma_wait3A_327 = arith.constant 0 : i32
      %dma_wait3A_328 = tpu.memref_slice %arg6[%dma_wait3A_324, %dma_wait3A_326, %dma_wait3A_327] : memref<10x64x128xf32, #tpu.memory_space<vmem>> -> memref<1x64x128xf32, #tpu.memory_space<vmem>>
      %dma_wait3A_329 = tpu.memref_squeeze %dma_wait3A_328 : memref<1x64x128xf32, #tpu.memory_space<vmem>> -> memref<64x128xf32, #tpu.memory_space<vmem>>
      %dma_wait3A_330 = tpu.memref_slice %arg5[%mul3A_323] : memref<6400xi32, #tpu.memory_space<vmem>> -> memref<64xi32, #tpu.memory_space<vmem>>
      %dma_wait3A_331 = arith.constant 0 : i32
      %dma_wait3A_332 = arith.constant 0 : i32
      %dma_wait3A_333 = tpu.memref_slice %arg2[%dma_wait3A_331, %dma_wait3A_332] : memref<100000x128xf32, #tpu.memory_space<hbm>> -> memref<100000x128xf32, #tpu.memory_space<hbm>>
      %dma_wait3A_334 = tpu.memref_slice %arg7[%dma_wait3A_325] : memref<10x!tpu.dma_semaphore, #tpu.memory_space<semaphore_mem>> -> memref<1x!tpu.dma_semaphore, #tpu.memory_space<semaphore_mem>>
      %dma_wait3A_335 = tpu.memref_squeeze %dma_wait3A_334 : memref<1x!tpu.dma_semaphore, #tpu.memory_space<semaphore_mem>> -> memref<!tpu.dma_semaphore, #tpu.memory_space<semaphore_mem>>
      tpu.wait_indirect_dma semaphore(%dma_wait3A_335 : memref<!tpu.dma_semaphore, #tpu.memory_space<semaphore_mem>>) src(%dma_wait3A_333 : memref<100000x128xf32, #tpu.memory_space<hbm>>) dst(%dma_wait3A_329 : memref<64x128xf32, #tpu.memory_space<vmem>>)
      %mul3A_336 = arith.constant 64 : i32
      %mul3A_337 = arith.muli %add3A_321, %mul3A_336 : i32
      %add3A_338 = arith.addi %mul3A_2, %mul3A_337 : i32
      %dma_start3A_339 = arith.constant 0 : i32
      %dma_start3A_340 = arith.constant 0 : i32
      %dma_start3A_341 = arith.constant 0 : i32
      %dma_start3A_342 = arith.constant 0 : i32
      %dma_start3A_343 = tpu.memref_slice %arg6[%dma_start3A_339, %dma_start3A_341, %dma_start3A_342] : memref<10x64x128xf32, #tpu.memory_space<vmem>> -> memref<1x64x128xf32, #tpu.memory_space<vmem>>
      %dma_start3A_344 = tpu.memref_squeeze %dma_start3A_343 : memref<1x64x128xf32, #tpu.memory_space<vmem>> -> memref<64x128xf32, #tpu.memory_space<vmem>>
      %dma_start3A_345 = arith.constant 0 : i32
      %dma_start3A_346 = tpu.memref_slice %arg4[%add3A_338, %dma_start3A_345] : memref<204800x128xf32, #tpu.memory_space<hbm>> -> memref<64x128xf32, #tpu.memory_space<hbm>>
      %dma_start3A_347 = tpu.memref_slice %arg8[%dma_start3A_340] : memref<10x!tpu.dma_semaphore, #tpu.memory_space<semaphore_mem>> -> memref<1x!tpu.dma_semaphore, #tpu.memory_space<semaphore_mem>>
      %dma_start3A_348 = tpu.memref_squeeze %dma_start3A_347 : memref<1x!tpu.dma_semaphore, #tpu.memory_space<semaphore_mem>> -> memref<!tpu.dma_semaphore, #tpu.memory_space<semaphore_mem>>
      %dma_start3A_349 = arith.constant 0 : i32
      %dma_start3A_350 = tpu.memref_slice %arg4[%add3A_338, %dma_start3A_349] : memref<204800x128xf32, #tpu.memory_space<hbm>> -> memref<64x128xf32, #tpu.memory_space<hbm>>
      %dma_start3A_351 = arith.constant 0 : i32
      %dma_start3A_352 = arith.constant 0 : i32
      %dma_start3A_353 = tpu.memref_slice %arg6[%dma_start3A_339, %dma_start3A_351, %dma_start3A_352] : memref<10x64x128xf32, #tpu.memory_space<vmem>> -> memref<1x64x128xf32, #tpu.memory_space<vmem>>
      %dma_start3A_354 = tpu.memref_squeeze %dma_start3A_353 : memref<1x64x128xf32, #tpu.memory_space<vmem>> -> memref<64x128xf32, #tpu.memory_space<vmem>>
      tpu.enqueue_dma source(%dma_start3A_354 : memref<64x128xf32, #tpu.memory_space<vmem>>) target(%dma_start3A_350 : memref<64x128xf32, #tpu.memory_space<hbm>>) target_semaphore(%dma_start3A_348 : memref<!tpu.dma_semaphore, #tpu.memory_space<semaphore_mem>>)
      %add3A_355 = arith.constant 10 : i32
      %add3A_356 = arith.addi %add3A_321, %add3A_355 : i32
      %lt3A = arith.constant 100 : i32
      %lt3A_357 = arith.cmpi slt, %add3A_356, %lt3A : i32
      %convert_element_type3A = arith.extui %lt3A_357 : i1 to i32
      %cond3A = arith.constant 0 : i32
      %cond3A_358 = arith.cmpi ne, %convert_element_type3A, %cond3A : i32
      scf.if %cond3A_358 {
        %mul3A_737 = arith.constant 64 : i32
        %mul3A_738 = arith.muli %add3A_321, %mul3A_737 : i32
        %add3A_739 = arith.addi %mul3A_2, %mul3A_738 : i32
        %dma_wait3A_740 = arith.constant 0 : i32
        %dma_wait3A_741 = arith.constant 0 : i32
        %dma_wait3A_742 = arith.constant 0 : i32
        %dma_wait3A_743 = arith.constant 0 : i32
        %dma_wait3A_744 = tpu.memref_slice %arg6[%dma_wait3A_740, %dma_wait3A_742, %dma_wait3A_743] : memref<10x64x128xf32, #tpu.memory_space<vmem>> -> memref<1x64x128xf32, #tpu.memory_space<vmem>>
        %dma_wait3A_745 = tpu.memref_squeeze %dma_wait3A_744 : memref<1x64x128xf32, #tpu.memory_space<vmem>> -> memref<64x128xf32, #tpu.memory_space<vmem>>
        %dma_wait3A_746 = arith.constant 0 : i32
        %dma_wait3A_747 = tpu.memref_slice %arg4[%add3A_739, %dma_wait3A_746] : memref<204800x128xf32, #tpu.memory_space<hbm>> -> memref<64x128xf32, #tpu.memory_space<hbm>>
        %dma_wait3A_748 = tpu.memref_slice %arg8[%dma_wait3A_741] : memref<10x!tpu.dma_semaphore, #tpu.memory_space<semaphore_mem>> -> memref<1x!tpu.dma_semaphore, #tpu.memory_space<semaphore_mem>>
        %dma_wait3A_749 = tpu.memref_squeeze %dma_wait3A_748 : memref<1x!tpu.dma_semaphore, #tpu.memory_space<semaphore_mem>> -> memref<!tpu.dma_semaphore, #tpu.memory_space<semaphore_mem>>
        %dma_wait3A_750 = arith.constant 0 : i32
        %dma_wait3A_751 = tpu.memref_slice %arg4[%add3A_739, %dma_wait3A_750] : memref<204800x128xf32, #tpu.memory_space<hbm>> -> memref<64x128xf32, #tpu.memory_space<hbm>>
        %dma_wait3A_752 = arith.constant 0 : i32
        %dma_wait3A_753 = arith.constant 0 : i32
        %dma_wait3A_754 = tpu.memref_slice %arg6[%dma_wait3A_740, %dma_wait3A_752, %dma_wait3A_753] : memref<10x64x128xf32, #tpu.memory_space<vmem>> -> memref<1x64x128xf32, #tpu.memory_space<vmem>>
        %dma_wait3A_755 = tpu.memref_squeeze %dma_wait3A_754 : memref<1x64x128xf32, #tpu.memory_space<vmem>> -> memref<64x128xf32, #tpu.memory_space<vmem>>
        tpu.wait_dma2 semaphore(%dma_wait3A_749 : memref<!tpu.dma_semaphore, #tpu.memory_space<semaphore_mem>>) src(%dma_wait3A_755 : memref<64x128xf32, #tpu.memory_space<vmem>>) dst(%dma_wait3A_751 : memref<64x128xf32, #tpu.memory_space<hbm>>)
        %add3A_756 = arith.constant 10 : i32
        %add3A_757 = arith.addi %add3A_321, %add3A_756 : i32
        %mul3A_758 = arith.constant 64 : i32
        %mul3A_759 = arith.muli %add3A_757, %mul3A_758 : i32
        %dma_start3A_760 = arith.constant 0 : i32
        %dma_start3A_761 = arith.constant 0 : i32
        %dma_start3A_762 = arith.constant 0 : i32
        %dma_start3A_763 = arith.constant 0 : i32
        %dma_start3A_764 = tpu.memref_slice %arg6[%dma_start3A_760, %dma_start3A_762, %dma_start3A_763] : memref<10x64x128xf32, #tpu.memory_space<vmem>> -> memref<1x64x128xf32, #tpu.memory_space<vmem>>
        %dma_start3A_765 = tpu.memref_squeeze %dma_start3A_764 : memref<1x64x128xf32, #tpu.memory_space<vmem>> -> memref<64x128xf32, #tpu.memory_space<vmem>>
        %dma_start3A_766 = tpu.memref_slice %arg5[%mul3A_759] : memref<6400xi32, #tpu.memory_space<vmem>> -> memref<64xi32, #tpu.memory_space<vmem>>
        %dma_start3A_767 = arith.constant 0 : i32
        %dma_start3A_768 = arith.constant 0 : i32
        %dma_start3A_769 = tpu.memref_slice %arg2[%dma_start3A_767, %dma_start3A_768] : memref<100000x128xf32, #tpu.memory_space<hbm>> -> memref<100000x128xf32, #tpu.memory_space<hbm>>
        %dma_start3A_770 = tpu.memref_slice %arg7[%dma_start3A_761] : memref<10x!tpu.dma_semaphore, #tpu.memory_space<semaphore_mem>> -> memref<1x!tpu.dma_semaphore, #tpu.memory_space<semaphore_mem>>
        %dma_start3A_771 = tpu.memref_squeeze %dma_start3A_770 : memref<1x!tpu.dma_semaphore, #tpu.memory_space<semaphore_mem>> -> memref<!tpu.dma_semaphore, #tpu.memory_space<semaphore_mem>>
        tpu.enqueue_indirect_dma source(%dma_start3A_769 : memref<100000x128xf32, #tpu.memory_space<hbm>>) target(%dma_start3A_765 : memref<64x128xf32, #tpu.memory_space<vmem>>) offsets(%dma_start3A_766 : memref<64xi32, #tpu.memory_space<vmem>>) semaphore(%dma_start3A_771 : memref<!tpu.dma_semaphore, #tpu.memory_space<semaphore_mem>>)
      } else {
      }
      %add3A_359 = arith.constant 1 : i32
      %add3A_360 = arith.addi %add3A_319, %add3A_359 : i32
      %mul3A_361 = arith.constant 64 : i32
      %mul3A_362 = arith.muli %add3A_360, %mul3A_361 : i32
      %dma_wait3A_363 = arith.constant 1 : i32
      %dma_wait3A_364 = arith.constant 1 : i32
      %dma_wait3A_365 = arith.constant 0 : i32
      %dma_wait3A_366 = arith.constant 0 : i32
      %dma_wait3A_367 = tpu.memref_slice %arg6[%dma_wait3A_363, %dma_wait3A_365, %dma_wait3A_366] : memref<10x64x128xf32, #tpu.memory_space<vmem>> -> memref<1x64x128xf32, #tpu.memory_space<vmem>>
      %dma_wait3A_368 = tpu.memref_squeeze %dma_wait3A_367 : memref<1x64x128xf32, #tpu.memory_space<vmem>> -> memref<64x128xf32, #tpu.memory_space<vmem>>
      %dma_wait3A_369 = tpu.memref_slice %arg5[%mul3A_362] : memref<6400xi32, #tpu.memory_space<vmem>> -> memref<64xi32, #tpu.memory_space<vmem>>
      %dma_wait3A_370 = arith.constant 0 : i32
      %dma_wait3A_371 = arith.constant 0 : i32
      %dma_wait3A_372 = tpu.memref_slice %arg2[%dma_wait3A_370, %dma_wait3A_371] : memref<100000x128xf32, #tpu.memory_space<hbm>> -> memref<100000x128xf32, #tpu.memory_space<hbm>>
      %dma_wait3A_373 = tpu.memref_slice %arg7[%dma_wait3A_364] : memref<10x!tpu.dma_semaphore, #tpu.memory_space<semaphore_mem>> -> memref<1x!tpu.dma_semaphore, #tpu.memory_space<semaphore_mem>>
      %dma_wait3A_374 = tpu.memref_squeeze %dma_wait3A_373 : memref<1x!tpu.dma_semaphore, #tpu.memory_space<semaphore_mem>> -> memref<!tpu.dma_semaphore, #tpu.memory_space<semaphore_mem>>
      tpu.wait_indirect_dma semaphore(%dma_wait3A_374 : memref<!tpu.dma_semaphore, #tpu.memory_space<semaphore_mem>>) src(%dma_wait3A_372 : memref<100000x128xf32, #tpu.memory_space<hbm>>) dst(%dma_wait3A_368 : memref<64x128xf32, #tpu.memory_space<vmem>>)
      %mul3A_375 = arith.constant 64 : i32
      %mul3A_376 = arith.muli %add3A_360, %mul3A_375 : i32
      %add3A_377 = arith.addi %mul3A_2, %mul3A_376 : i32
      %dma_start3A_378 = arith.constant 1 : i32
      %dma_start3A_379 = arith.constant 1 : i32
      %dma_start3A_380 = arith.constant 0 : i32
      %dma_start3A_381 = arith.constant 0 : i32
      %dma_start3A_382 = tpu.memref_slice %arg6[%dma_start3A_378, %dma_start3A_380, %dma_start3A_381] : memref<10x64x128xf32, #tpu.memory_space<vmem>> -> memref<1x64x128xf32, #tpu.memory_space<vmem>>
      %dma_start3A_383 = tpu.memref_squeeze %dma_start3A_382 : memref<1x64x128xf32, #tpu.memory_space<vmem>> -> memref<64x128xf32, #tpu.memory_space<vmem>>
      %dma_start3A_384 = arith.constant 0 : i32
      %dma_start3A_385 = tpu.memref_slice %arg4[%add3A_377, %dma_start3A_384] : memref<204800x128xf32, #tpu.memory_space<hbm>> -> memref<64x128xf32, #tpu.memory_space<hbm>>
      %dma_start3A_386 = tpu.memref_slice %arg8[%dma_start3A_379] : memref<10x!tpu.dma_semaphore, #tpu.memory_space<semaphore_mem>> -> memref<1x!tpu.dma_semaphore, #tpu.memory_space<semaphore_mem>>
      %dma_start3A_387 = tpu.memref_squeeze %dma_start3A_386 : memref<1x!tpu.dma_semaphore, #tpu.memory_space<semaphore_mem>> -> memref<!tpu.dma_semaphore, #tpu.memory_space<semaphore_mem>>
      %dma_start3A_388 = arith.constant 0 : i32
      %dma_start3A_389 = tpu.memref_slice %arg4[%add3A_377, %dma_start3A_388] : memref<204800x128xf32, #tpu.memory_space<hbm>> -> memref<64x128xf32, #tpu.memory_space<hbm>>
      %dma_start3A_390 = arith.constant 0 : i32
      %dma_start3A_391 = arith.constant 0 : i32
      %dma_start3A_392 = tpu.memref_slice %arg6[%dma_start3A_378, %dma_start3A_390, %dma_start3A_391] : memref<10x64x128xf32, #tpu.memory_space<vmem>> -> memref<1x64x128xf32, #tpu.memory_space<vmem>>
      %dma_start3A_393 = tpu.memref_squeeze %dma_start3A_392 : memref<1x64x128xf32, #tpu.memory_space<vmem>> -> memref<64x128xf32, #tpu.memory_space<vmem>>
      tpu.enqueue_dma source(%dma_start3A_393 : memref<64x128xf32, #tpu.memory_space<vmem>>) target(%dma_start3A_389 : memref<64x128xf32, #tpu.memory_space<hbm>>) target_semaphore(%dma_start3A_387 : memref<!tpu.dma_semaphore, #tpu.memory_space<semaphore_mem>>)
      %add3A_394 = arith.constant 10 : i32
      %add3A_395 = arith.addi %add3A_360, %add3A_394 : i32
      %lt3A_396 = arith.constant 100 : i32
      %lt3A_397 = arith.cmpi slt, %add3A_395, %lt3A_396 : i32
      %convert_element_type3A_398 = arith.extui %lt3A_397 : i1 to i32
      %cond3A_399 = arith.constant 0 : i32
      %cond3A_400 = arith.cmpi ne, %convert_element_type3A_398, %cond3A_399 : i32
      scf.if %cond3A_400 {
        %mul3A_737 = arith.constant 64 : i32
        %mul3A_738 = arith.muli %add3A_360, %mul3A_737 : i32
        %add3A_739 = arith.addi %mul3A_2, %mul3A_738 : i32
        %dma_wait3A_740 = arith.constant 1 : i32
        %dma_wait3A_741 = arith.constant 1 : i32
        %dma_wait3A_742 = arith.constant 0 : i32
        %dma_wait3A_743 = arith.constant 0 : i32
        %dma_wait3A_744 = tpu.memref_slice %arg6[%dma_wait3A_740, %dma_wait3A_742, %dma_wait3A_743] : memref<10x64x128xf32, #tpu.memory_space<vmem>> -> memref<1x64x128xf32, #tpu.memory_space<vmem>>
        %dma_wait3A_745 = tpu.memref_squeeze %dma_wait3A_744 : memref<1x64x128xf32, #tpu.memory_space<vmem>> -> memref<64x128xf32, #tpu.memory_space<vmem>>
        %dma_wait3A_746 = arith.constant 0 : i32
        %dma_wait3A_747 = tpu.memref_slice %arg4[%add3A_739, %dma_wait3A_746] : memref<204800x128xf32, #tpu.memory_space<hbm>> -> memref<64x128xf32, #tpu.memory_space<hbm>>
        %dma_wait3A_748 = tpu.memref_slice %arg8[%dma_wait3A_741] : memref<10x!tpu.dma_semaphore, #tpu.memory_space<semaphore_mem>> -> memref<1x!tpu.dma_semaphore, #tpu.memory_space<semaphore_mem>>
        %dma_wait3A_749 = tpu.memref_squeeze %dma_wait3A_748 : memref<1x!tpu.dma_semaphore, #tpu.memory_space<semaphore_mem>> -> memref<!tpu.dma_semaphore, #tpu.memory_space<semaphore_mem>>
        %dma_wait3A_750 = arith.constant 0 : i32
        %dma_wait3A_751 = tpu.memref_slice %arg4[%add3A_739, %dma_wait3A_750] : memref<204800x128xf32, #tpu.memory_space<hbm>> -> memref<64x128xf32, #tpu.memory_space<hbm>>
        %dma_wait3A_752 = arith.constant 0 : i32
        %dma_wait3A_753 = arith.constant 0 : i32
        %dma_wait3A_754 = tpu.memref_slice %arg6[%dma_wait3A_740, %dma_wait3A_752, %dma_wait3A_753] : memref<10x64x128xf32, #tpu.memory_space<vmem>> -> memref<1x64x128xf32, #tpu.memory_space<vmem>>
        %dma_wait3A_755 = tpu.memref_squeeze %dma_wait3A_754 : memref<1x64x128xf32, #tpu.memory_space<vmem>> -> memref<64x128xf32, #tpu.memory_space<vmem>>
        tpu.wait_dma2 semaphore(%dma_wait3A_749 : memref<!tpu.dma_semaphore, #tpu.memory_space<semaphore_mem>>) src(%dma_wait3A_755 : memref<64x128xf32, #tpu.memory_space<vmem>>) dst(%dma_wait3A_751 : memref<64x128xf32, #tpu.memory_space<hbm>>)
        %add3A_756 = arith.constant 10 : i32
        %add3A_757 = arith.addi %add3A_360, %add3A_756 : i32
        %mul3A_758 = arith.constant 64 : i32
        %mul3A_759 = arith.muli %add3A_757, %mul3A_758 : i32
        %dma_start3A_760 = arith.constant 1 : i32
        %dma_start3A_761 = arith.constant 1 : i32
        %dma_start3A_762 = arith.constant 0 : i32
        %dma_start3A_763 = arith.constant 0 : i32
        %dma_start3A_764 = tpu.memref_slice %arg6[%dma_start3A_760, %dma_start3A_762, %dma_start3A_763] : memref<10x64x128xf32, #tpu.memory_space<vmem>> -> memref<1x64x128xf32, #tpu.memory_space<vmem>>
        %dma_start3A_765 = tpu.memref_squeeze %dma_start3A_764 : memref<1x64x128xf32, #tpu.memory_space<vmem>> -> memref<64x128xf32, #tpu.memory_space<vmem>>
        %dma_start3A_766 = tpu.memref_slice %arg5[%mul3A_759] : memref<6400xi32, #tpu.memory_space<vmem>> -> memref<64xi32, #tpu.memory_space<vmem>>
        %dma_start3A_767 = arith.constant 0 : i32
        %dma_start3A_768 = arith.constant 0 : i32
        %dma_start3A_769 = tpu.memref_slice %arg2[%dma_start3A_767, %dma_start3A_768] : memref<100000x128xf32, #tpu.memory_space<hbm>> -> memref<100000x128xf32, #tpu.memory_space<hbm>>
        %dma_start3A_770 = tpu.memref_slice %arg7[%dma_start3A_761] : memref<10x!tpu.dma_semaphore, #tpu.memory_space<semaphore_mem>> -> memref<1x!tpu.dma_semaphore, #tpu.memory_space<semaphore_mem>>
        %dma_start3A_771 = tpu.memref_squeeze %dma_start3A_770 : memref<1x!tpu.dma_semaphore, #tpu.memory_space<semaphore_mem>> -> memref<!tpu.dma_semaphore, #tpu.memory_space<semaphore_mem>>
        tpu.enqueue_indirect_dma source(%dma_start3A_769 : memref<100000x128xf32, #tpu.memory_space<hbm>>) target(%dma_start3A_765 : memref<64x128xf32, #tpu.memory_space<vmem>>) offsets(%dma_start3A_766 : memref<64xi32, #tpu.memory_space<vmem>>) semaphore(%dma_start3A_771 : memref<!tpu.dma_semaphore, #tpu.memory_space<semaphore_mem>>)
      } else {
      }
      %add3A_401 = arith.constant 2 : i32
      %add3A_402 = arith.addi %add3A_319, %add3A_401 : i32
      %mul3A_403 = arith.constant 64 : i32
      %mul3A_404 = arith.muli %add3A_402, %mul3A_403 : i32
      %dma_wait3A_405 = arith.constant 2 : i32
      %dma_wait3A_406 = arith.constant 2 : i32
      %dma_wait3A_407 = arith.constant 0 : i32
      %dma_wait3A_408 = arith.constant 0 : i32
      %dma_wait3A_409 = tpu.memref_slice %arg6[%dma_wait3A_405, %dma_wait3A_407, %dma_wait3A_408] : memref<10x64x128xf32, #tpu.memory_space<vmem>> -> memref<1x64x128xf32, #tpu.memory_space<vmem>>
      %dma_wait3A_410 = tpu.memref_squeeze %dma_wait3A_409 : memref<1x64x128xf32, #tpu.memory_space<vmem>> -> memref<64x128xf32, #tpu.memory_space<vmem>>
      %dma_wait3A_411 = tpu.memref_slice %arg5[%mul3A_404] : memref<6400xi32, #tpu.memory_space<vmem>> -> memref<64xi32, #tpu.memory_space<vmem>>
      %dma_wait3A_412 = arith.constant 0 : i32
      %dma_wait3A_413 = arith.constant 0 : i32
      %dma_wait3A_414 = tpu.memref_slice %arg2[%dma_wait3A_412, %dma_wait3A_413] : memref<100000x128xf32, #tpu.memory_space<hbm>> -> memref<100000x128xf32, #tpu.memory_space<hbm>>
      %dma_wait3A_415 = tpu.memref_slice %arg7[%dma_wait3A_406] : memref<10x!tpu.dma_semaphore, #tpu.memory_space<semaphore_mem>> -> memref<1x!tpu.dma_semaphore, #tpu.memory_space<semaphore_mem>>
      %dma_wait3A_416 = tpu.memref_squeeze %dma_wait3A_415 : memref<1x!tpu.dma_semaphore, #tpu.memory_space<semaphore_mem>> -> memref<!tpu.dma_semaphore, #tpu.memory_space<semaphore_mem>>
      tpu.wait_indirect_dma semaphore(%dma_wait3A_416 : memref<!tpu.dma_semaphore, #tpu.memory_space<semaphore_mem>>) src(%dma_wait3A_414 : memref<100000x128xf32, #tpu.memory_space<hbm>>) dst(%dma_wait3A_410 : memref<64x128xf32, #tpu.memory_space<vmem>>)
      %mul3A_417 = arith.constant 64 : i32
      %mul3A_418 = arith.muli %add3A_402, %mul3A_417 : i32
      %add3A_419 = arith.addi %mul3A_2, %mul3A_418 : i32
      %dma_start3A_420 = arith.constant 2 : i32
      %dma_start3A_421 = arith.constant 2 : i32
      %dma_start3A_422 = arith.constant 0 : i32
      %dma_start3A_423 = arith.constant 0 : i32
      %dma_start3A_424 = tpu.memref_slice %arg6[%dma_start3A_420, %dma_start3A_422, %dma_start3A_423] : memref<10x64x128xf32, #tpu.memory_space<vmem>> -> memref<1x64x128xf32, #tpu.memory_space<vmem>>
      %dma_start3A_425 = tpu.memref_squeeze %dma_start3A_424 : memref<1x64x128xf32, #tpu.memory_space<vmem>> -> memref<64x128xf32, #tpu.memory_space<vmem>>
      %dma_start3A_426 = arith.constant 0 : i32
      %dma_start3A_427 = tpu.memref_slice %arg4[%add3A_419, %dma_start3A_426] : memref<204800x128xf32, #tpu.memory_space<hbm>> -> memref<64x128xf32, #tpu.memory_space<hbm>>
      %dma_start3A_428 = tpu.memref_slice %arg8[%dma_start3A_421] : memref<10x!tpu.dma_semaphore, #tpu.memory_space<semaphore_mem>> -> memref<1x!tpu.dma_semaphore, #tpu.memory_space<semaphore_mem>>
      %dma_start3A_429 = tpu.memref_squeeze %dma_start3A_428 : memref<1x!tpu.dma_semaphore, #tpu.memory_space<semaphore_mem>> -> memref<!tpu.dma_semaphore, #tpu.memory_space<semaphore_mem>>
      %dma_start3A_430 = arith.constant 0 : i32
      %dma_start3A_431 = tpu.memref_slice %arg4[%add3A_419, %dma_start3A_430] : memref<204800x128xf32, #tpu.memory_space<hbm>> -> memref<64x128xf32, #tpu.memory_space<hbm>>
      %dma_start3A_432 = arith.constant 0 : i32
      %dma_start3A_433 = arith.constant 0 : i32
      %dma_start3A_434 = tpu.memref_slice %arg6[%dma_start3A_420, %dma_start3A_432, %dma_start3A_433] : memref<10x64x128xf32, #tpu.memory_space<vmem>> -> memref<1x64x128xf32, #tpu.memory_space<vmem>>
      %dma_start3A_435 = tpu.memref_squeeze %dma_start3A_434 : memref<1x64x128xf32, #tpu.memory_space<vmem>> -> memref<64x128xf32, #tpu.memory_space<vmem>>
      tpu.enqueue_dma source(%dma_start3A_435 : memref<64x128xf32, #tpu.memory_space<vmem>>) target(%dma_start3A_431 : memref<64x128xf32, #tpu.memory_space<hbm>>) target_semaphore(%dma_start3A_429 : memref<!tpu.dma_semaphore, #tpu.memory_space<semaphore_mem>>)
      %add3A_436 = arith.constant 10 : i32
      %add3A_437 = arith.addi %add3A_402, %add3A_436 : i32
      %lt3A_438 = arith.constant 100 : i32
      %lt3A_439 = arith.cmpi slt, %add3A_437, %lt3A_438 : i32
      %convert_element_type3A_440 = arith.extui %lt3A_439 : i1 to i32
      %cond3A_441 = arith.constant 0 : i32
      %cond3A_442 = arith.cmpi ne, %convert_element_type3A_440, %cond3A_441 : i32
      scf.if %cond3A_442 {
        %mul3A_737 = arith.constant 64 : i32
        %mul3A_738 = arith.muli %add3A_402, %mul3A_737 : i32
        %add3A_739 = arith.addi %mul3A_2, %mul3A_738 : i32
        %dma_wait3A_740 = arith.constant 2 : i32
        %dma_wait3A_741 = arith.constant 2 : i32
        %dma_wait3A_742 = arith.constant 0 : i32
        %dma_wait3A_743 = arith.constant 0 : i32
        %dma_wait3A_744 = tpu.memref_slice %arg6[%dma_wait3A_740, %dma_wait3A_742, %dma_wait3A_743] : memref<10x64x128xf32, #tpu.memory_space<vmem>> -> memref<1x64x128xf32, #tpu.memory_space<vmem>>
        %dma_wait3A_745 = tpu.memref_squeeze %dma_wait3A_744 : memref<1x64x128xf32, #tpu.memory_space<vmem>> -> memref<64x128xf32, #tpu.memory_space<vmem>>
        %dma_wait3A_746 = arith.constant 0 : i32
        %dma_wait3A_747 = tpu.memref_slice %arg4[%add3A_739, %dma_wait3A_746] : memref<204800x128xf32, #tpu.memory_space<hbm>> -> memref<64x128xf32, #tpu.memory_space<hbm>>
        %dma_wait3A_748 = tpu.memref_slice %arg8[%dma_wait3A_741] : memref<10x!tpu.dma_semaphore, #tpu.memory_space<semaphore_mem>> -> memref<1x!tpu.dma_semaphore, #tpu.memory_space<semaphore_mem>>
        %dma_wait3A_749 = tpu.memref_squeeze %dma_wait3A_748 : memref<1x!tpu.dma_semaphore, #tpu.memory_space<semaphore_mem>> -> memref<!tpu.dma_semaphore, #tpu.memory_space<semaphore_mem>>
        %dma_wait3A_750 = arith.constant 0 : i32
        %dma_wait3A_751 = tpu.memref_slice %arg4[%add3A_739, %dma_wait3A_750] : memref<204800x128xf32, #tpu.memory_space<hbm>> -> memref<64x128xf32, #tpu.memory_space<hbm>>
        %dma_wait3A_752 = arith.constant 0 : i32
        %dma_wait3A_753 = arith.constant 0 : i32
        %dma_wait3A_754 = tpu.memref_slice %arg6[%dma_wait3A_740, %dma_wait3A_752, %dma_wait3A_753] : memref<10x64x128xf32, #tpu.memory_space<vmem>> -> memref<1x64x128xf32, #tpu.memory_space<vmem>>
        %dma_wait3A_755 = tpu.memref_squeeze %dma_wait3A_754 : memref<1x64x128xf32, #tpu.memory_space<vmem>> -> memref<64x128xf32, #tpu.memory_space<vmem>>
        tpu.wait_dma2 semaphore(%dma_wait3A_749 : memref<!tpu.dma_semaphore, #tpu.memory_space<semaphore_mem>>) src(%dma_wait3A_755 : memref<64x128xf32, #tpu.memory_space<vmem>>) dst(%dma_wait3A_751 : memref<64x128xf32, #tpu.memory_space<hbm>>)
        %add3A_756 = arith.constant 10 : i32
        %add3A_757 = arith.addi %add3A_402, %add3A_756 : i32
        %mul3A_758 = arith.constant 64 : i32
        %mul3A_759 = arith.muli %add3A_757, %mul3A_758 : i32
        %dma_start3A_760 = arith.constant 2 : i32
        %dma_start3A_761 = arith.constant 2 : i32
        %dma_start3A_762 = arith.constant 0 : i32
        %dma_start3A_763 = arith.constant 0 : i32
        %dma_start3A_764 = tpu.memref_slice %arg6[%dma_start3A_760, %dma_start3A_762, %dma_start3A_763] : memref<10x64x128xf32, #tpu.memory_space<vmem>> -> memref<1x64x128xf32, #tpu.memory_space<vmem>>
        %dma_start3A_765 = tpu.memref_squeeze %dma_start3A_764 : memref<1x64x128xf32, #tpu.memory_space<vmem>> -> memref<64x128xf32, #tpu.memory_space<vmem>>
        %dma_start3A_766 = tpu.memref_slice %arg5[%mul3A_759] : memref<6400xi32, #tpu.memory_space<vmem>> -> memref<64xi32, #tpu.memory_space<vmem>>
        %dma_start3A_767 = arith.constant 0 : i32
        %dma_start3A_768 = arith.constant 0 : i32
        %dma_start3A_769 = tpu.memref_slice %arg2[%dma_start3A_767, %dma_start3A_768] : memref<100000x128xf32, #tpu.memory_space<hbm>> -> memref<100000x128xf32, #tpu.memory_space<hbm>>
        %dma_start3A_770 = tpu.memref_slice %arg7[%dma_start3A_761] : memref<10x!tpu.dma_semaphore, #tpu.memory_space<semaphore_mem>> -> memref<1x!tpu.dma_semaphore, #tpu.memory_space<semaphore_mem>>
        %dma_start3A_771 = tpu.memref_squeeze %dma_start3A_770 : memref<1x!tpu.dma_semaphore, #tpu.memory_space<semaphore_mem>> -> memref<!tpu.dma_semaphore, #tpu.memory_space<semaphore_mem>>
        tpu.enqueue_indirect_dma source(%dma_start3A_769 : memref<100000x128xf32, #tpu.memory_space<hbm>>) target(%dma_start3A_765 : memref<64x128xf32, #tpu.memory_space<vmem>>) offsets(%dma_start3A_766 : memref<64xi32, #tpu.memory_space<vmem>>) semaphore(%dma_start3A_771 : memref<!tpu.dma_semaphore, #tpu.memory_space<semaphore_mem>>)
      } else {
      }
      %add3A_443 = arith.constant 3 : i32
      %add3A_444 = arith.addi %add3A_319, %add3A_443 : i32
      %mul3A_445 = arith.constant 64 : i32
      %mul3A_446 = arith.muli %add3A_444, %mul3A_445 : i32
      %dma_wait3A_447 = arith.constant 3 : i32
      %dma_wait3A_448 = arith.constant 3 : i32
      %dma_wait3A_449 = arith.constant 0 : i32
      %dma_wait3A_450 = arith.constant 0 : i32
      %dma_wait3A_451 = tpu.memref_slice %arg6[%dma_wait3A_447, %dma_wait3A_449, %dma_wait3A_450] : memref<10x64x128xf32, #tpu.memory_space<vmem>> -> memref<1x64x128xf32, #tpu.memory_space<vmem>>
      %dma_wait3A_452 = tpu.memref_squeeze %dma_wait3A_451 : memref<1x64x128xf32, #tpu.memory_space<vmem>> -> memref<64x128xf32, #tpu.memory_space<vmem>>
      %dma_wait3A_453 = tpu.memref_slice %arg5[%mul3A_446] : memref<6400xi32, #tpu.memory_space<vmem>> -> memref<64xi32, #tpu.memory_space<vmem>>
      %dma_wait3A_454 = arith.constant 0 : i32
      %dma_wait3A_455 = arith.constant 0 : i32
      %dma_wait3A_456 = tpu.memref_slice %arg2[%dma_wait3A_454, %dma_wait3A_455] : memref<100000x128xf32, #tpu.memory_space<hbm>> -> memref<100000x128xf32, #tpu.memory_space<hbm>>
      %dma_wait3A_457 = tpu.memref_slice %arg7[%dma_wait3A_448] : memref<10x!tpu.dma_semaphore, #tpu.memory_space<semaphore_mem>> -> memref<1x!tpu.dma_semaphore, #tpu.memory_space<semaphore_mem>>
      %dma_wait3A_458 = tpu.memref_squeeze %dma_wait3A_457 : memref<1x!tpu.dma_semaphore, #tpu.memory_space<semaphore_mem>> -> memref<!tpu.dma_semaphore, #tpu.memory_space<semaphore_mem>>
      tpu.wait_indirect_dma semaphore(%dma_wait3A_458 : memref<!tpu.dma_semaphore, #tpu.memory_space<semaphore_mem>>) src(%dma_wait3A_456 : memref<100000x128xf32, #tpu.memory_space<hbm>>) dst(%dma_wait3A_452 : memref<64x128xf32, #tpu.memory_space<vmem>>)
      %mul3A_459 = arith.constant 64 : i32
      %mul3A_460 = arith.muli %add3A_444, %mul3A_459 : i32
      %add3A_461 = arith.addi %mul3A_2, %mul3A_460 : i32
      %dma_start3A_462 = arith.constant 3 : i32
      %dma_start3A_463 = arith.constant 3 : i32
      %dma_start3A_464 = arith.constant 0 : i32
      %dma_start3A_465 = arith.constant 0 : i32
      %dma_start3A_466 = tpu.memref_slice %arg6[%dma_start3A_462, %dma_start3A_464, %dma_start3A_465] : memref<10x64x128xf32, #tpu.memory_space<vmem>> -> memref<1x64x128xf32, #tpu.memory_space<vmem>>
      %dma_start3A_467 = tpu.memref_squeeze %dma_start3A_466 : memref<1x64x128xf32, #tpu.memory_space<vmem>> -> memref<64x128xf32, #tpu.memory_space<vmem>>
      %dma_start3A_468 = arith.constant 0 : i32
      %dma_start3A_469 = tpu.memref_slice %arg4[%add3A_461, %dma_start3A_468] : memref<204800x128xf32, #tpu.memory_space<hbm>> -> memref<64x128xf32, #tpu.memory_space<hbm>>
      %dma_start3A_470 = tpu.memref_slice %arg8[%dma_start3A_463] : memref<10x!tpu.dma_semaphore, #tpu.memory_space<semaphore_mem>> -> memref<1x!tpu.dma_semaphore, #tpu.memory_space<semaphore_mem>>
      %dma_start3A_471 = tpu.memref_squeeze %dma_start3A_470 : memref<1x!tpu.dma_semaphore, #tpu.memory_space<semaphore_mem>> -> memref<!tpu.dma_semaphore, #tpu.memory_space<semaphore_mem>>
      %dma_start3A_472 = arith.constant 0 : i32
      %dma_start3A_473 = tpu.memref_slice %arg4[%add3A_461, %dma_start3A_472] : memref<204800x128xf32, #tpu.memory_space<hbm>> -> memref<64x128xf32, #tpu.memory_space<hbm>>
      %dma_start3A_474 = arith.constant 0 : i32
      %dma_start3A_475 = arith.constant 0 : i32
      %dma_start3A_476 = tpu.memref_slice %arg6[%dma_start3A_462, %dma_start3A_474, %dma_start3A_475] : memref<10x64x128xf32, #tpu.memory_space<vmem>> -> memref<1x64x128xf32, #tpu.memory_space<vmem>>
      %dma_start3A_477 = tpu.memref_squeeze %dma_start3A_476 : memref<1x64x128xf32, #tpu.memory_space<vmem>> -> memref<64x128xf32, #tpu.memory_space<vmem>>
      tpu.enqueue_dma source(%dma_start3A_477 : memref<64x128xf32, #tpu.memory_space<vmem>>) target(%dma_start3A_473 : memref<64x128xf32, #tpu.memory_space<hbm>>) target_semaphore(%dma_start3A_471 : memref<!tpu.dma_semaphore, #tpu.memory_space<semaphore_mem>>)
      %add3A_478 = arith.constant 10 : i32
      %add3A_479 = arith.addi %add3A_444, %add3A_478 : i32
      %lt3A_480 = arith.constant 100 : i32
      %lt3A_481 = arith.cmpi slt, %add3A_479, %lt3A_480 : i32
      %convert_element_type3A_482 = arith.extui %lt3A_481 : i1 to i32
      %cond3A_483 = arith.constant 0 : i32
      %cond3A_484 = arith.cmpi ne, %convert_element_type3A_482, %cond3A_483 : i32
      scf.if %cond3A_484 {
        %mul3A_737 = arith.constant 64 : i32
        %mul3A_738 = arith.muli %add3A_444, %mul3A_737 : i32
        %add3A_739 = arith.addi %mul3A_2, %mul3A_738 : i32
        %dma_wait3A_740 = arith.constant 3 : i32
        %dma_wait3A_741 = arith.constant 3 : i32
        %dma_wait3A_742 = arith.constant 0 : i32
        %dma_wait3A_743 = arith.constant 0 : i32
        %dma_wait3A_744 = tpu.memref_slice %arg6[%dma_wait3A_740, %dma_wait3A_742, %dma_wait3A_743] : memref<10x64x128xf32, #tpu.memory_space<vmem>> -> memref<1x64x128xf32, #tpu.memory_space<vmem>>
        %dma_wait3A_745 = tpu.memref_squeeze %dma_wait3A_744 : memref<1x64x128xf32, #tpu.memory_space<vmem>> -> memref<64x128xf32, #tpu.memory_space<vmem>>
        %dma_wait3A_746 = arith.constant 0 : i32
        %dma_wait3A_747 = tpu.memref_slice %arg4[%add3A_739, %dma_wait3A_746] : memref<204800x128xf32, #tpu.memory_space<hbm>> -> memref<64x128xf32, #tpu.memory_space<hbm>>
        %dma_wait3A_748 = tpu.memref_slice %arg8[%dma_wait3A_741] : memref<10x!tpu.dma_semaphore, #tpu.memory_space<semaphore_mem>> -> memref<1x!tpu.dma_semaphore, #tpu.memory_space<semaphore_mem>>
        %dma_wait3A_749 = tpu.memref_squeeze %dma_wait3A_748 : memref<1x!tpu.dma_semaphore, #tpu.memory_space<semaphore_mem>> -> memref<!tpu.dma_semaphore, #tpu.memory_space<semaphore_mem>>
        %dma_wait3A_750 = arith.constant 0 : i32
        %dma_wait3A_751 = tpu.memref_slice %arg4[%add3A_739, %dma_wait3A_750] : memref<204800x128xf32, #tpu.memory_space<hbm>> -> memref<64x128xf32, #tpu.memory_space<hbm>>
        %dma_wait3A_752 = arith.constant 0 : i32
        %dma_wait3A_753 = arith.constant 0 : i32
        %dma_wait3A_754 = tpu.memref_slice %arg6[%dma_wait3A_740, %dma_wait3A_752, %dma_wait3A_753] : memref<10x64x128xf32, #tpu.memory_space<vmem>> -> memref<1x64x128xf32, #tpu.memory_space<vmem>>
        %dma_wait3A_755 = tpu.memref_squeeze %dma_wait3A_754 : memref<1x64x128xf32, #tpu.memory_space<vmem>> -> memref<64x128xf32, #tpu.memory_space<vmem>>
        tpu.wait_dma2 semaphore(%dma_wait3A_749 : memref<!tpu.dma_semaphore, #tpu.memory_space<semaphore_mem>>) src(%dma_wait3A_755 : memref<64x128xf32, #tpu.memory_space<vmem>>) dst(%dma_wait3A_751 : memref<64x128xf32, #tpu.memory_space<hbm>>)
        %add3A_756 = arith.constant 10 : i32
        %add3A_757 = arith.addi %add3A_444, %add3A_756 : i32
        %mul3A_758 = arith.constant 64 : i32
        %mul3A_759 = arith.muli %add3A_757, %mul3A_758 : i32
        %dma_start3A_760 = arith.constant 3 : i32
        %dma_start3A_761 = arith.constant 3 : i32
        %dma_start3A_762 = arith.constant 0 : i32
        %dma_start3A_763 = arith.constant 0 : i32
        %dma_start3A_764 = tpu.memref_slice %arg6[%dma_start3A_760, %dma_start3A_762, %dma_start3A_763] : memref<10x64x128xf32, #tpu.memory_space<vmem>> -> memref<1x64x128xf32, #tpu.memory_space<vmem>>
        %dma_start3A_765 = tpu.memref_squeeze %dma_start3A_764 : memref<1x64x128xf32, #tpu.memory_space<vmem>> -> memref<64x128xf32, #tpu.memory_space<vmem>>
        %dma_start3A_766 = tpu.memref_slice %arg5[%mul3A_759] : memref<6400xi32, #tpu.memory_space<vmem>> -> memref<64xi32, #tpu.memory_space<vmem>>
        %dma_start3A_767 = arith.constant 0 : i32
        %dma_start3A_768 = arith.constant 0 : i32
        %dma_start3A_769 = tpu.memref_slice %arg2[%dma_start3A_767, %dma_start3A_768] : memref<100000x128xf32, #tpu.memory_space<hbm>> -> memref<100000x128xf32, #tpu.memory_space<hbm>>
        %dma_start3A_770 = tpu.memref_slice %arg7[%dma_start3A_761] : memref<10x!tpu.dma_semaphore, #tpu.memory_space<semaphore_mem>> -> memref<1x!tpu.dma_semaphore, #tpu.memory_space<semaphore_mem>>
        %dma_start3A_771 = tpu.memref_squeeze %dma_start3A_770 : memref<1x!tpu.dma_semaphore, #tpu.memory_space<semaphore_mem>> -> memref<!tpu.dma_semaphore, #tpu.memory_space<semaphore_mem>>
        tpu.enqueue_indirect_dma source(%dma_start3A_769 : memref<100000x128xf32, #tpu.memory_space<hbm>>) target(%dma_start3A_765 : memref<64x128xf32, #tpu.memory_space<vmem>>) offsets(%dma_start3A_766 : memref<64xi32, #tpu.memory_space<vmem>>) semaphore(%dma_start3A_771 : memref<!tpu.dma_semaphore, #tpu.memory_space<semaphore_mem>>)
      } else {
      }
      %add3A_485 = arith.constant 4 : i32
      %add3A_486 = arith.addi %add3A_319, %add3A_485 : i32
      %mul3A_487 = arith.constant 64 : i32
      %mul3A_488 = arith.muli %add3A_486, %mul3A_487 : i32
      %dma_wait3A_489 = arith.constant 4 : i32
      %dma_wait3A_490 = arith.constant 4 : i32
      %dma_wait3A_491 = arith.constant 0 : i32
      %dma_wait3A_492 = arith.constant 0 : i32
      %dma_wait3A_493 = tpu.memref_slice %arg6[%dma_wait3A_489, %dma_wait3A_491, %dma_wait3A_492] : memref<10x64x128xf32, #tpu.memory_space<vmem>> -> memref<1x64x128xf32, #tpu.memory_space<vmem>>
      %dma_wait3A_494 = tpu.memref_squeeze %dma_wait3A_493 : memref<1x64x128xf32, #tpu.memory_space<vmem>> -> memref<64x128xf32, #tpu.memory_space<vmem>>
      %dma_wait3A_495 = tpu.memref_slice %arg5[%mul3A_488] : memref<6400xi32, #tpu.memory_space<vmem>> -> memref<64xi32, #tpu.memory_space<vmem>>
      %dma_wait3A_496 = arith.constant 0 : i32
      %dma_wait3A_497 = arith.constant 0 : i32
      %dma_wait3A_498 = tpu.memref_slice %arg2[%dma_wait3A_496, %dma_wait3A_497] : memref<100000x128xf32, #tpu.memory_space<hbm>> -> memref<100000x128xf32, #tpu.memory_space<hbm>>
      %dma_wait3A_499 = tpu.memref_slice %arg7[%dma_wait3A_490] : memref<10x!tpu.dma_semaphore, #tpu.memory_space<semaphore_mem>> -> memref<1x!tpu.dma_semaphore, #tpu.memory_space<semaphore_mem>>
      %dma_wait3A_500 = tpu.memref_squeeze %dma_wait3A_499 : memref<1x!tpu.dma_semaphore, #tpu.memory_space<semaphore_mem>> -> memref<!tpu.dma_semaphore, #tpu.memory_space<semaphore_mem>>
      tpu.wait_indirect_dma semaphore(%dma_wait3A_500 : memref<!tpu.dma_semaphore, #tpu.memory_space<semaphore_mem>>) src(%dma_wait3A_498 : memref<100000x128xf32, #tpu.memory_space<hbm>>) dst(%dma_wait3A_494 : memref<64x128xf32, #tpu.memory_space<vmem>>)
      %mul3A_501 = arith.constant 64 : i32
      %mul3A_502 = arith.muli %add3A_486, %mul3A_501 : i32
      %add3A_503 = arith.addi %mul3A_2, %mul3A_502 : i32
      %dma_start3A_504 = arith.constant 4 : i32
      %dma_start3A_505 = arith.constant 4 : i32
      %dma_start3A_506 = arith.constant 0 : i32
      %dma_start3A_507 = arith.constant 0 : i32
      %dma_start3A_508 = tpu.memref_slice %arg6[%dma_start3A_504, %dma_start3A_506, %dma_start3A_507] : memref<10x64x128xf32, #tpu.memory_space<vmem>> -> memref<1x64x128xf32, #tpu.memory_space<vmem>>
      %dma_start3A_509 = tpu.memref_squeeze %dma_start3A_508 : memref<1x64x128xf32, #tpu.memory_space<vmem>> -> memref<64x128xf32, #tpu.memory_space<vmem>>
      %dma_start3A_510 = arith.constant 0 : i32
      %dma_start3A_511 = tpu.memref_slice %arg4[%add3A_503, %dma_start3A_510] : memref<204800x128xf32, #tpu.memory_space<hbm>> -> memref<64x128xf32, #tpu.memory_space<hbm>>
      %dma_start3A_512 = tpu.memref_slice %arg8[%dma_start3A_505] : memref<10x!tpu.dma_semaphore, #tpu.memory_space<semaphore_mem>> -> memref<1x!tpu.dma_semaphore, #tpu.memory_space<semaphore_mem>>
      %dma_start3A_513 = tpu.memref_squeeze %dma_start3A_512 : memref<1x!tpu.dma_semaphore, #tpu.memory_space<semaphore_mem>> -> memref<!tpu.dma_semaphore, #tpu.memory_space<semaphore_mem>>
      %dma_start3A_514 = arith.constant 0 : i32
      %dma_start3A_515 = tpu.memref_slice %arg4[%add3A_503, %dma_start3A_514] : memref<204800x128xf32, #tpu.memory_space<hbm>> -> memref<64x128xf32, #tpu.memory_space<hbm>>
      %dma_start3A_516 = arith.constant 0 : i32
      %dma_start3A_517 = arith.constant 0 : i32
      %dma_start3A_518 = tpu.memref_slice %arg6[%dma_start3A_504, %dma_start3A_516, %dma_start3A_517] : memref<10x64x128xf32, #tpu.memory_space<vmem>> -> memref<1x64x128xf32, #tpu.memory_space<vmem>>
      %dma_start3A_519 = tpu.memref_squeeze %dma_start3A_518 : memref<1x64x128xf32, #tpu.memory_space<vmem>> -> memref<64x128xf32, #tpu.memory_space<vmem>>
      tpu.enqueue_dma source(%dma_start3A_519 : memref<64x128xf32, #tpu.memory_space<vmem>>) target(%dma_start3A_515 : memref<64x128xf32, #tpu.memory_space<hbm>>) target_semaphore(%dma_start3A_513 : memref<!tpu.dma_semaphore, #tpu.memory_space<semaphore_mem>>)
      %add3A_520 = arith.constant 10 : i32
      %add3A_521 = arith.addi %add3A_486, %add3A_520 : i32
      %lt3A_522 = arith.constant 100 : i32
      %lt3A_523 = arith.cmpi slt, %add3A_521, %lt3A_522 : i32
      %convert_element_type3A_524 = arith.extui %lt3A_523 : i1 to i32
      %cond3A_525 = arith.constant 0 : i32
      %cond3A_526 = arith.cmpi ne, %convert_element_type3A_524, %cond3A_525 : i32
      scf.if %cond3A_526 {
        %mul3A_737 = arith.constant 64 : i32
        %mul3A_738 = arith.muli %add3A_486, %mul3A_737 : i32
        %add3A_739 = arith.addi %mul3A_2, %mul3A_738 : i32
        %dma_wait3A_740 = arith.constant 4 : i32
        %dma_wait3A_741 = arith.constant 4 : i32
        %dma_wait3A_742 = arith.constant 0 : i32
        %dma_wait3A_743 = arith.constant 0 : i32
        %dma_wait3A_744 = tpu.memref_slice %arg6[%dma_wait3A_740, %dma_wait3A_742, %dma_wait3A_743] : memref<10x64x128xf32, #tpu.memory_space<vmem>> -> memref<1x64x128xf32, #tpu.memory_space<vmem>>
        %dma_wait3A_745 = tpu.memref_squeeze %dma_wait3A_744 : memref<1x64x128xf32, #tpu.memory_space<vmem>> -> memref<64x128xf32, #tpu.memory_space<vmem>>
        %dma_wait3A_746 = arith.constant 0 : i32
        %dma_wait3A_747 = tpu.memref_slice %arg4[%add3A_739, %dma_wait3A_746] : memref<204800x128xf32, #tpu.memory_space<hbm>> -> memref<64x128xf32, #tpu.memory_space<hbm>>
        %dma_wait3A_748 = tpu.memref_slice %arg8[%dma_wait3A_741] : memref<10x!tpu.dma_semaphore, #tpu.memory_space<semaphore_mem>> -> memref<1x!tpu.dma_semaphore, #tpu.memory_space<semaphore_mem>>
        %dma_wait3A_749 = tpu.memref_squeeze %dma_wait3A_748 : memref<1x!tpu.dma_semaphore, #tpu.memory_space<semaphore_mem>> -> memref<!tpu.dma_semaphore, #tpu.memory_space<semaphore_mem>>
        %dma_wait3A_750 = arith.constant 0 : i32
        %dma_wait3A_751 = tpu.memref_slice %arg4[%add3A_739, %dma_wait3A_750] : memref<204800x128xf32, #tpu.memory_space<hbm>> -> memref<64x128xf32, #tpu.memory_space<hbm>>
        %dma_wait3A_752 = arith.constant 0 : i32
        %dma_wait3A_753 = arith.constant 0 : i32
        %dma_wait3A_754 = tpu.memref_slice %arg6[%dma_wait3A_740, %dma_wait3A_752, %dma_wait3A_753] : memref<10x64x128xf32, #tpu.memory_space<vmem>> -> memref<1x64x128xf32, #tpu.memory_space<vmem>>
        %dma_wait3A_755 = tpu.memref_squeeze %dma_wait3A_754 : memref<1x64x128xf32, #tpu.memory_space<vmem>> -> memref<64x128xf32, #tpu.memory_space<vmem>>
        tpu.wait_dma2 semaphore(%dma_wait3A_749 : memref<!tpu.dma_semaphore, #tpu.memory_space<semaphore_mem>>) src(%dma_wait3A_755 : memref<64x128xf32, #tpu.memory_space<vmem>>) dst(%dma_wait3A_751 : memref<64x128xf32, #tpu.memory_space<hbm>>)
        %add3A_756 = arith.constant 10 : i32
        %add3A_757 = arith.addi %add3A_486, %add3A_756 : i32
        %mul3A_758 = arith.constant 64 : i32
        %mul3A_759 = arith.muli %add3A_757, %mul3A_758 : i32
        %dma_start3A_760 = arith.constant 4 : i32
        %dma_start3A_761 = arith.constant 4 : i32
        %dma_start3A_762 = arith.constant 0 : i32
        %dma_start3A_763 = arith.constant 0 : i32
        %dma_start3A_764 = tpu.memref_slice %arg6[%dma_start3A_760, %dma_start3A_762, %dma_start3A_763] : memref<10x64x128xf32, #tpu.memory_space<vmem>> -> memref<1x64x128xf32, #tpu.memory_space<vmem>>
        %dma_start3A_765 = tpu.memref_squeeze %dma_start3A_764 : memref<1x64x128xf32, #tpu.memory_space<vmem>> -> memref<64x128xf32, #tpu.memory_space<vmem>>
        %dma_start3A_766 = tpu.memref_slice %arg5[%mul3A_759] : memref<6400xi32, #tpu.memory_space<vmem>> -> memref<64xi32, #tpu.memory_space<vmem>>
        %dma_start3A_767 = arith.constant 0 : i32
        %dma_start3A_768 = arith.constant 0 : i32
        %dma_start3A_769 = tpu.memref_slice %arg2[%dma_start3A_767, %dma_start3A_768] : memref<100000x128xf32, #tpu.memory_space<hbm>> -> memref<100000x128xf32, #tpu.memory_space<hbm>>
        %dma_start3A_770 = tpu.memref_slice %arg7[%dma_start3A_761] : memref<10x!tpu.dma_semaphore, #tpu.memory_space<semaphore_mem>> -> memref<1x!tpu.dma_semaphore, #tpu.memory_space<semaphore_mem>>
        %dma_start3A_771 = tpu.memref_squeeze %dma_start3A_770 : memref<1x!tpu.dma_semaphore, #tpu.memory_space<semaphore_mem>> -> memref<!tpu.dma_semaphore, #tpu.memory_space<semaphore_mem>>
        tpu.enqueue_indirect_dma source(%dma_start3A_769 : memref<100000x128xf32, #tpu.memory_space<hbm>>) target(%dma_start3A_765 : memref<64x128xf32, #tpu.memory_space<vmem>>) offsets(%dma_start3A_766 : memref<64xi32, #tpu.memory_space<vmem>>) semaphore(%dma_start3A_771 : memref<!tpu.dma_semaphore, #tpu.memory_space<semaphore_mem>>)
      } else {
      }
      %add3A_527 = arith.constant 5 : i32
      %add3A_528 = arith.addi %add3A_319, %add3A_527 : i32
      %mul3A_529 = arith.constant 64 : i32
      %mul3A_530 = arith.muli %add3A_528, %mul3A_529 : i32
      %dma_wait3A_531 = arith.constant 5 : i32
      %dma_wait3A_532 = arith.constant 5 : i32
      %dma_wait3A_533 = arith.constant 0 : i32
      %dma_wait3A_534 = arith.constant 0 : i32
      %dma_wait3A_535 = tpu.memref_slice %arg6[%dma_wait3A_531, %dma_wait3A_533, %dma_wait3A_534] : memref<10x64x128xf32, #tpu.memory_space<vmem>> -> memref<1x64x128xf32, #tpu.memory_space<vmem>>
      %dma_wait3A_536 = tpu.memref_squeeze %dma_wait3A_535 : memref<1x64x128xf32, #tpu.memory_space<vmem>> -> memref<64x128xf32, #tpu.memory_space<vmem>>
      %dma_wait3A_537 = tpu.memref_slice %arg5[%mul3A_530] : memref<6400xi32, #tpu.memory_space<vmem>> -> memref<64xi32, #tpu.memory_space<vmem>>
      %dma_wait3A_538 = arith.constant 0 : i32
      %dma_wait3A_539 = arith.constant 0 : i32
      %dma_wait3A_540 = tpu.memref_slice %arg2[%dma_wait3A_538, %dma_wait3A_539] : memref<100000x128xf32, #tpu.memory_space<hbm>> -> memref<100000x128xf32, #tpu.memory_space<hbm>>
      %dma_wait3A_541 = tpu.memref_slice %arg7[%dma_wait3A_532] : memref<10x!tpu.dma_semaphore, #tpu.memory_space<semaphore_mem>> -> memref<1x!tpu.dma_semaphore, #tpu.memory_space<semaphore_mem>>
      %dma_wait3A_542 = tpu.memref_squeeze %dma_wait3A_541 : memref<1x!tpu.dma_semaphore, #tpu.memory_space<semaphore_mem>> -> memref<!tpu.dma_semaphore, #tpu.memory_space<semaphore_mem>>
      tpu.wait_indirect_dma semaphore(%dma_wait3A_542 : memref<!tpu.dma_semaphore, #tpu.memory_space<semaphore_mem>>) src(%dma_wait3A_540 : memref<100000x128xf32, #tpu.memory_space<hbm>>) dst(%dma_wait3A_536 : memref<64x128xf32, #tpu.memory_space<vmem>>)
      %mul3A_543 = arith.constant 64 : i32
      %mul3A_544 = arith.muli %add3A_528, %mul3A_543 : i32
      %add3A_545 = arith.addi %mul3A_2, %mul3A_544 : i32
      %dma_start3A_546 = arith.constant 5 : i32
      %dma_start3A_547 = arith.constant 5 : i32
      %dma_start3A_548 = arith.constant 0 : i32
      %dma_start3A_549 = arith.constant 0 : i32
      %dma_start3A_550 = tpu.memref_slice %arg6[%dma_start3A_546, %dma_start3A_548, %dma_start3A_549] : memref<10x64x128xf32, #tpu.memory_space<vmem>> -> memref<1x64x128xf32, #tpu.memory_space<vmem>>
      %dma_start3A_551 = tpu.memref_squeeze %dma_start3A_550 : memref<1x64x128xf32, #tpu.memory_space<vmem>> -> memref<64x128xf32, #tpu.memory_space<vmem>>
      %dma_start3A_552 = arith.constant 0 : i32
      %dma_start3A_553 = tpu.memref_slice %arg4[%add3A_545, %dma_start3A_552] : memref<204800x128xf32, #tpu.memory_space<hbm>> -> memref<64x128xf32, #tpu.memory_space<hbm>>
      %dma_start3A_554 = tpu.memref_slice %arg8[%dma_start3A_547] : memref<10x!tpu.dma_semaphore, #tpu.memory_space<semaphore_mem>> -> memref<1x!tpu.dma_semaphore, #tpu.memory_space<semaphore_mem>>
      %dma_start3A_555 = tpu.memref_squeeze %dma_start3A_554 : memref<1x!tpu.dma_semaphore, #tpu.memory_space<semaphore_mem>> -> memref<!tpu.dma_semaphore, #tpu.memory_space<semaphore_mem>>
      %dma_start3A_556 = arith.constant 0 : i32
      %dma_start3A_557 = tpu.memref_slice %arg4[%add3A_545, %dma_start3A_556] : memref<204800x128xf32, #tpu.memory_space<hbm>> -> memref<64x128xf32, #tpu.memory_space<hbm>>
      %dma_start3A_558 = arith.constant 0 : i32
      %dma_start3A_559 = arith.constant 0 : i32
      %dma_start3A_560 = tpu.memref_slice %arg6[%dma_start3A_546, %dma_start3A_558, %dma_start3A_559] : memref<10x64x128xf32, #tpu.memory_space<vmem>> -> memref<1x64x128xf32, #tpu.memory_space<vmem>>
      %dma_start3A_561 = tpu.memref_squeeze %dma_start3A_560 : memref<1x64x128xf32, #tpu.memory_space<vmem>> -> memref<64x128xf32, #tpu.memory_space<vmem>>
      tpu.enqueue_dma source(%dma_start3A_561 : memref<64x128xf32, #tpu.memory_space<vmem>>) target(%dma_start3A_557 : memref<64x128xf32, #tpu.memory_space<hbm>>) target_semaphore(%dma_start3A_555 : memref<!tpu.dma_semaphore, #tpu.memory_space<semaphore_mem>>)
      %add3A_562 = arith.constant 10 : i32
      %add3A_563 = arith.addi %add3A_528, %add3A_562 : i32
      %lt3A_564 = arith.constant 100 : i32
      %lt3A_565 = arith.cmpi slt, %add3A_563, %lt3A_564 : i32
      %convert_element_type3A_566 = arith.extui %lt3A_565 : i1 to i32
      %cond3A_567 = arith.constant 0 : i32
      %cond3A_568 = arith.cmpi ne, %convert_element_type3A_566, %cond3A_567 : i32
      scf.if %cond3A_568 {
        %mul3A_737 = arith.constant 64 : i32
        %mul3A_738 = arith.muli %add3A_528, %mul3A_737 : i32
        %add3A_739 = arith.addi %mul3A_2, %mul3A_738 : i32
        %dma_wait3A_740 = arith.constant 5 : i32
        %dma_wait3A_741 = arith.constant 5 : i32
        %dma_wait3A_742 = arith.constant 0 : i32
        %dma_wait3A_743 = arith.constant 0 : i32
        %dma_wait3A_744 = tpu.memref_slice %arg6[%dma_wait3A_740, %dma_wait3A_742, %dma_wait3A_743] : memref<10x64x128xf32, #tpu.memory_space<vmem>> -> memref<1x64x128xf32, #tpu.memory_space<vmem>>
        %dma_wait3A_745 = tpu.memref_squeeze %dma_wait3A_744 : memref<1x64x128xf32, #tpu.memory_space<vmem>> -> memref<64x128xf32, #tpu.memory_space<vmem>>
        %dma_wait3A_746 = arith.constant 0 : i32
        %dma_wait3A_747 = tpu.memref_slice %arg4[%add3A_739, %dma_wait3A_746] : memref<204800x128xf32, #tpu.memory_space<hbm>> -> memref<64x128xf32, #tpu.memory_space<hbm>>
        %dma_wait3A_748 = tpu.memref_slice %arg8[%dma_wait3A_741] : memref<10x!tpu.dma_semaphore, #tpu.memory_space<semaphore_mem>> -> memref<1x!tpu.dma_semaphore, #tpu.memory_space<semaphore_mem>>
        %dma_wait3A_749 = tpu.memref_squeeze %dma_wait3A_748 : memref<1x!tpu.dma_semaphore, #tpu.memory_space<semaphore_mem>> -> memref<!tpu.dma_semaphore, #tpu.memory_space<semaphore_mem>>
        %dma_wait3A_750 = arith.constant 0 : i32
        %dma_wait3A_751 = tpu.memref_slice %arg4[%add3A_739, %dma_wait3A_750] : memref<204800x128xf32, #tpu.memory_space<hbm>> -> memref<64x128xf32, #tpu.memory_space<hbm>>
        %dma_wait3A_752 = arith.constant 0 : i32
        %dma_wait3A_753 = arith.constant 0 : i32
        %dma_wait3A_754 = tpu.memref_slice %arg6[%dma_wait3A_740, %dma_wait3A_752, %dma_wait3A_753] : memref<10x64x128xf32, #tpu.memory_space<vmem>> -> memref<1x64x128xf32, #tpu.memory_space<vmem>>
        %dma_wait3A_755 = tpu.memref_squeeze %dma_wait3A_754 : memref<1x64x128xf32, #tpu.memory_space<vmem>> -> memref<64x128xf32, #tpu.memory_space<vmem>>
        tpu.wait_dma2 semaphore(%dma_wait3A_749 : memref<!tpu.dma_semaphore, #tpu.memory_space<semaphore_mem>>) src(%dma_wait3A_755 : memref<64x128xf32, #tpu.memory_space<vmem>>) dst(%dma_wait3A_751 : memref<64x128xf32, #tpu.memory_space<hbm>>)
        %add3A_756 = arith.constant 10 : i32
        %add3A_757 = arith.addi %add3A_528, %add3A_756 : i32
        %mul3A_758 = arith.constant 64 : i32
        %mul3A_759 = arith.muli %add3A_757, %mul3A_758 : i32
        %dma_start3A_760 = arith.constant 5 : i32
        %dma_start3A_761 = arith.constant 5 : i32
        %dma_start3A_762 = arith.constant 0 : i32
        %dma_start3A_763 = arith.constant 0 : i32
        %dma_start3A_764 = tpu.memref_slice %arg6[%dma_start3A_760, %dma_start3A_762, %dma_start3A_763] : memref<10x64x128xf32, #tpu.memory_space<vmem>> -> memref<1x64x128xf32, #tpu.memory_space<vmem>>
        %dma_start3A_765 = tpu.memref_squeeze %dma_start3A_764 : memref<1x64x128xf32, #tpu.memory_space<vmem>> -> memref<64x128xf32, #tpu.memory_space<vmem>>
        %dma_start3A_766 = tpu.memref_slice %arg5[%mul3A_759] : memref<6400xi32, #tpu.memory_space<vmem>> -> memref<64xi32, #tpu.memory_space<vmem>>
        %dma_start3A_767 = arith.constant 0 : i32
        %dma_start3A_768 = arith.constant 0 : i32
        %dma_start3A_769 = tpu.memref_slice %arg2[%dma_start3A_767, %dma_start3A_768] : memref<100000x128xf32, #tpu.memory_space<hbm>> -> memref<100000x128xf32, #tpu.memory_space<hbm>>
        %dma_start3A_770 = tpu.memref_slice %arg7[%dma_start3A_761] : memref<10x!tpu.dma_semaphore, #tpu.memory_space<semaphore_mem>> -> memref<1x!tpu.dma_semaphore, #tpu.memory_space<semaphore_mem>>
        %dma_start3A_771 = tpu.memref_squeeze %dma_start3A_770 : memref<1x!tpu.dma_semaphore, #tpu.memory_space<semaphore_mem>> -> memref<!tpu.dma_semaphore, #tpu.memory_space<semaphore_mem>>
        tpu.enqueue_indirect_dma source(%dma_start3A_769 : memref<100000x128xf32, #tpu.memory_space<hbm>>) target(%dma_start3A_765 : memref<64x128xf32, #tpu.memory_space<vmem>>) offsets(%dma_start3A_766 : memref<64xi32, #tpu.memory_space<vmem>>) semaphore(%dma_start3A_771 : memref<!tpu.dma_semaphore, #tpu.memory_space<semaphore_mem>>)
      } else {
      }
      %add3A_569 = arith.constant 6 : i32
      %add3A_570 = arith.addi %add3A_319, %add3A_569 : i32
      %mul3A_571 = arith.constant 64 : i32
      %mul3A_572 = arith.muli %add3A_570, %mul3A_571 : i32
      %dma_wait3A_573 = arith.constant 6 : i32
      %dma_wait3A_574 = arith.constant 6 : i32
      %dma_wait3A_575 = arith.constant 0 : i32
      %dma_wait3A_576 = arith.constant 0 : i32
      %dma_wait3A_577 = tpu.memref_slice %arg6[%dma_wait3A_573, %dma_wait3A_575, %dma_wait3A_576] : memref<10x64x128xf32, #tpu.memory_space<vmem>> -> memref<1x64x128xf32, #tpu.memory_space<vmem>>
      %dma_wait3A_578 = tpu.memref_squeeze %dma_wait3A_577 : memref<1x64x128xf32, #tpu.memory_space<vmem>> -> memref<64x128xf32, #tpu.memory_space<vmem>>
      %dma_wait3A_579 = tpu.memref_slice %arg5[%mul3A_572] : memref<6400xi32, #tpu.memory_space<vmem>> -> memref<64xi32, #tpu.memory_space<vmem>>
      %dma_wait3A_580 = arith.constant 0 : i32
      %dma_wait3A_581 = arith.constant 0 : i32
      %dma_wait3A_582 = tpu.memref_slice %arg2[%dma_wait3A_580, %dma_wait3A_581] : memref<100000x128xf32, #tpu.memory_space<hbm>> -> memref<100000x128xf32, #tpu.memory_space<hbm>>
      %dma_wait3A_583 = tpu.memref_slice %arg7[%dma_wait3A_574] : memref<10x!tpu.dma_semaphore, #tpu.memory_space<semaphore_mem>> -> memref<1x!tpu.dma_semaphore, #tpu.memory_space<semaphore_mem>>
      %dma_wait3A_584 = tpu.memref_squeeze %dma_wait3A_583 : memref<1x!tpu.dma_semaphore, #tpu.memory_space<semaphore_mem>> -> memref<!tpu.dma_semaphore, #tpu.memory_space<semaphore_mem>>
      tpu.wait_indirect_dma semaphore(%dma_wait3A_584 : memref<!tpu.dma_semaphore, #tpu.memory_space<semaphore_mem>>) src(%dma_wait3A_582 : memref<100000x128xf32, #tpu.memory_space<hbm>>) dst(%dma_wait3A_578 : memref<64x128xf32, #tpu.memory_space<vmem>>)
      %mul3A_585 = arith.constant 64 : i32
      %mul3A_586 = arith.muli %add3A_570, %mul3A_585 : i32
      %add3A_587 = arith.addi %mul3A_2, %mul3A_586 : i32
      %dma_start3A_588 = arith.constant 6 : i32
      %dma_start3A_589 = arith.constant 6 : i32
      %dma_start3A_590 = arith.constant 0 : i32
      %dma_start3A_591 = arith.constant 0 : i32
      %dma_start3A_592 = tpu.memref_slice %arg6[%dma_start3A_588, %dma_start3A_590, %dma_start3A_591] : memref<10x64x128xf32, #tpu.memory_space<vmem>> -> memref<1x64x128xf32, #tpu.memory_space<vmem>>
      %dma_start3A_593 = tpu.memref_squeeze %dma_start3A_592 : memref<1x64x128xf32, #tpu.memory_space<vmem>> -> memref<64x128xf32, #tpu.memory_space<vmem>>
      %dma_start3A_594 = arith.constant 0 : i32
      %dma_start3A_595 = tpu.memref_slice %arg4[%add3A_587, %dma_start3A_594] : memref<204800x128xf32, #tpu.memory_space<hbm>> -> memref<64x128xf32, #tpu.memory_space<hbm>>
      %dma_start3A_596 = tpu.memref_slice %arg8[%dma_start3A_589] : memref<10x!tpu.dma_semaphore, #tpu.memory_space<semaphore_mem>> -> memref<1x!tpu.dma_semaphore, #tpu.memory_space<semaphore_mem>>
      %dma_start3A_597 = tpu.memref_squeeze %dma_start3A_596 : memref<1x!tpu.dma_semaphore, #tpu.memory_space<semaphore_mem>> -> memref<!tpu.dma_semaphore, #tpu.memory_space<semaphore_mem>>
      %dma_start3A_598 = arith.constant 0 : i32
      %dma_start3A_599 = tpu.memref_slice %arg4[%add3A_587, %dma_start3A_598] : memref<204800x128xf32, #tpu.memory_space<hbm>> -> memref<64x128xf32, #tpu.memory_space<hbm>>
      %dma_start3A_600 = arith.constant 0 : i32
      %dma_start3A_601 = arith.constant 0 : i32
      %dma_start3A_602 = tpu.memref_slice %arg6[%dma_start3A_588, %dma_start3A_600, %dma_start3A_601] : memref<10x64x128xf32, #tpu.memory_space<vmem>> -> memref<1x64x128xf32, #tpu.memory_space<vmem>>
      %dma_start3A_603 = tpu.memref_squeeze %dma_start3A_602 : memref<1x64x128xf32, #tpu.memory_space<vmem>> -> memref<64x128xf32, #tpu.memory_space<vmem>>
      tpu.enqueue_dma source(%dma_start3A_603 : memref<64x128xf32, #tpu.memory_space<vmem>>) target(%dma_start3A_599 : memref<64x128xf32, #tpu.memory_space<hbm>>) target_semaphore(%dma_start3A_597 : memref<!tpu.dma_semaphore, #tpu.memory_space<semaphore_mem>>)
      %add3A_604 = arith.constant 10 : i32
      %add3A_605 = arith.addi %add3A_570, %add3A_604 : i32
      %lt3A_606 = arith.constant 100 : i32
      %lt3A_607 = arith.cmpi slt, %add3A_605, %lt3A_606 : i32
      %convert_element_type3A_608 = arith.extui %lt3A_607 : i1 to i32
      %cond3A_609 = arith.constant 0 : i32
      %cond3A_610 = arith.cmpi ne, %convert_element_type3A_608, %cond3A_609 : i32
      scf.if %cond3A_610 {
        %mul3A_737 = arith.constant 64 : i32
        %mul3A_738 = arith.muli %add3A_570, %mul3A_737 : i32
        %add3A_739 = arith.addi %mul3A_2, %mul3A_738 : i32
        %dma_wait3A_740 = arith.constant 6 : i32
        %dma_wait3A_741 = arith.constant 6 : i32
        %dma_wait3A_742 = arith.constant 0 : i32
        %dma_wait3A_743 = arith.constant 0 : i32
        %dma_wait3A_744 = tpu.memref_slice %arg6[%dma_wait3A_740, %dma_wait3A_742, %dma_wait3A_743] : memref<10x64x128xf32, #tpu.memory_space<vmem>> -> memref<1x64x128xf32, #tpu.memory_space<vmem>>
        %dma_wait3A_745 = tpu.memref_squeeze %dma_wait3A_744 : memref<1x64x128xf32, #tpu.memory_space<vmem>> -> memref<64x128xf32, #tpu.memory_space<vmem>>
        %dma_wait3A_746 = arith.constant 0 : i32
        %dma_wait3A_747 = tpu.memref_slice %arg4[%add3A_739, %dma_wait3A_746] : memref<204800x128xf32, #tpu.memory_space<hbm>> -> memref<64x128xf32, #tpu.memory_space<hbm>>
        %dma_wait3A_748 = tpu.memref_slice %arg8[%dma_wait3A_741] : memref<10x!tpu.dma_semaphore, #tpu.memory_space<semaphore_mem>> -> memref<1x!tpu.dma_semaphore, #tpu.memory_space<semaphore_mem>>
        %dma_wait3A_749 = tpu.memref_squeeze %dma_wait3A_748 : memref<1x!tpu.dma_semaphore, #tpu.memory_space<semaphore_mem>> -> memref<!tpu.dma_semaphore, #tpu.memory_space<semaphore_mem>>
        %dma_wait3A_750 = arith.constant 0 : i32
        %dma_wait3A_751 = tpu.memref_slice %arg4[%add3A_739, %dma_wait3A_750] : memref<204800x128xf32, #tpu.memory_space<hbm>> -> memref<64x128xf32, #tpu.memory_space<hbm>>
        %dma_wait3A_752 = arith.constant 0 : i32
        %dma_wait3A_753 = arith.constant 0 : i32
        %dma_wait3A_754 = tpu.memref_slice %arg6[%dma_wait3A_740, %dma_wait3A_752, %dma_wait3A_753] : memref<10x64x128xf32, #tpu.memory_space<vmem>> -> memref<1x64x128xf32, #tpu.memory_space<vmem>>
        %dma_wait3A_755 = tpu.memref_squeeze %dma_wait3A_754 : memref<1x64x128xf32, #tpu.memory_space<vmem>> -> memref<64x128xf32, #tpu.memory_space<vmem>>
        tpu.wait_dma2 semaphore(%dma_wait3A_749 : memref<!tpu.dma_semaphore, #tpu.memory_space<semaphore_mem>>) src(%dma_wait3A_755 : memref<64x128xf32, #tpu.memory_space<vmem>>) dst(%dma_wait3A_751 : memref<64x128xf32, #tpu.memory_space<hbm>>)
        %add3A_756 = arith.constant 10 : i32
        %add3A_757 = arith.addi %add3A_570, %add3A_756 : i32
        %mul3A_758 = arith.constant 64 : i32
        %mul3A_759 = arith.muli %add3A_757, %mul3A_758 : i32
        %dma_start3A_760 = arith.constant 6 : i32
        %dma_start3A_761 = arith.constant 6 : i32
        %dma_start3A_762 = arith.constant 0 : i32
        %dma_start3A_763 = arith.constant 0 : i32
        %dma_start3A_764 = tpu.memref_slice %arg6[%dma_start3A_760, %dma_start3A_762, %dma_start3A_763] : memref<10x64x128xf32, #tpu.memory_space<vmem>> -> memref<1x64x128xf32, #tpu.memory_space<vmem>>
        %dma_start3A_765 = tpu.memref_squeeze %dma_start3A_764 : memref<1x64x128xf32, #tpu.memory_space<vmem>> -> memref<64x128xf32, #tpu.memory_space<vmem>>
        %dma_start3A_766 = tpu.memref_slice %arg5[%mul3A_759] : memref<6400xi32, #tpu.memory_space<vmem>> -> memref<64xi32, #tpu.memory_space<vmem>>
        %dma_start3A_767 = arith.constant 0 : i32
        %dma_start3A_768 = arith.constant 0 : i32
        %dma_start3A_769 = tpu.memref_slice %arg2[%dma_start3A_767, %dma_start3A_768] : memref<100000x128xf32, #tpu.memory_space<hbm>> -> memref<100000x128xf32, #tpu.memory_space<hbm>>
        %dma_start3A_770 = tpu.memref_slice %arg7[%dma_start3A_761] : memref<10x!tpu.dma_semaphore, #tpu.memory_space<semaphore_mem>> -> memref<1x!tpu.dma_semaphore, #tpu.memory_space<semaphore_mem>>
        %dma_start3A_771 = tpu.memref_squeeze %dma_start3A_770 : memref<1x!tpu.dma_semaphore, #tpu.memory_space<semaphore_mem>> -> memref<!tpu.dma_semaphore, #tpu.memory_space<semaphore_mem>>
        tpu.enqueue_indirect_dma source(%dma_start3A_769 : memref<100000x128xf32, #tpu.memory_space<hbm>>) target(%dma_start3A_765 : memref<64x128xf32, #tpu.memory_space<vmem>>) offsets(%dma_start3A_766 : memref<64xi32, #tpu.memory_space<vmem>>) semaphore(%dma_start3A_771 : memref<!tpu.dma_semaphore, #tpu.memory_space<semaphore_mem>>)
      } else {
      }
      %add3A_611 = arith.constant 7 : i32
      %add3A_612 = arith.addi %add3A_319, %add3A_611 : i32
      %mul3A_613 = arith.constant 64 : i32
      %mul3A_614 = arith.muli %add3A_612, %mul3A_613 : i32
      %dma_wait3A_615 = arith.constant 7 : i32
      %dma_wait3A_616 = arith.constant 7 : i32
      %dma_wait3A_617 = arith.constant 0 : i32
      %dma_wait3A_618 = arith.constant 0 : i32
      %dma_wait3A_619 = tpu.memref_slice %arg6[%dma_wait3A_615, %dma_wait3A_617, %dma_wait3A_618] : memref<10x64x128xf32, #tpu.memory_space<vmem>> -> memref<1x64x128xf32, #tpu.memory_space<vmem>>
      %dma_wait3A_620 = tpu.memref_squeeze %dma_wait3A_619 : memref<1x64x128xf32, #tpu.memory_space<vmem>> -> memref<64x128xf32, #tpu.memory_space<vmem>>
      %dma_wait3A_621 = tpu.memref_slice %arg5[%mul3A_614] : memref<6400xi32, #tpu.memory_space<vmem>> -> memref<64xi32, #tpu.memory_space<vmem>>
      %dma_wait3A_622 = arith.constant 0 : i32
      %dma_wait3A_623 = arith.constant 0 : i32
      %dma_wait3A_624 = tpu.memref_slice %arg2[%dma_wait3A_622, %dma_wait3A_623] : memref<100000x128xf32, #tpu.memory_space<hbm>> -> memref<100000x128xf32, #tpu.memory_space<hbm>>
      %dma_wait3A_625 = tpu.memref_slice %arg7[%dma_wait3A_616] : memref<10x!tpu.dma_semaphore, #tpu.memory_space<semaphore_mem>> -> memref<1x!tpu.dma_semaphore, #tpu.memory_space<semaphore_mem>>
      %dma_wait3A_626 = tpu.memref_squeeze %dma_wait3A_625 : memref<1x!tpu.dma_semaphore, #tpu.memory_space<semaphore_mem>> -> memref<!tpu.dma_semaphore, #tpu.memory_space<semaphore_mem>>
      tpu.wait_indirect_dma semaphore(%dma_wait3A_626 : memref<!tpu.dma_semaphore, #tpu.memory_space<semaphore_mem>>) src(%dma_wait3A_624 : memref<100000x128xf32, #tpu.memory_space<hbm>>) dst(%dma_wait3A_620 : memref<64x128xf32, #tpu.memory_space<vmem>>)
      %mul3A_627 = arith.constant 64 : i32
      %mul3A_628 = arith.muli %add3A_612, %mul3A_627 : i32
      %add3A_629 = arith.addi %mul3A_2, %mul3A_628 : i32
      %dma_start3A_630 = arith.constant 7 : i32
      %dma_start3A_631 = arith.constant 7 : i32
      %dma_start3A_632 = arith.constant 0 : i32
      %dma_start3A_633 = arith.constant 0 : i32
      %dma_start3A_634 = tpu.memref_slice %arg6[%dma_start3A_630, %dma_start3A_632, %dma_start3A_633] : memref<10x64x128xf32, #tpu.memory_space<vmem>> -> memref<1x64x128xf32, #tpu.memory_space<vmem>>
      %dma_start3A_635 = tpu.memref_squeeze %dma_start3A_634 : memref<1x64x128xf32, #tpu.memory_space<vmem>> -> memref<64x128xf32, #tpu.memory_space<vmem>>
      %dma_start3A_636 = arith.constant 0 : i32
      %dma_start3A_637 = tpu.memref_slice %arg4[%add3A_629, %dma_start3A_636] : memref<204800x128xf32, #tpu.memory_space<hbm>> -> memref<64x128xf32, #tpu.memory_space<hbm>>
      %dma_start3A_638 = tpu.memref_slice %arg8[%dma_start3A_631] : memref<10x!tpu.dma_semaphore, #tpu.memory_space<semaphore_mem>> -> memref<1x!tpu.dma_semaphore, #tpu.memory_space<semaphore_mem>>
      %dma_start3A_639 = tpu.memref_squeeze %dma_start3A_638 : memref<1x!tpu.dma_semaphore, #tpu.memory_space<semaphore_mem>> -> memref<!tpu.dma_semaphore, #tpu.memory_space<semaphore_mem>>
      %dma_start3A_640 = arith.constant 0 : i32
      %dma_start3A_641 = tpu.memref_slice %arg4[%add3A_629, %dma_start3A_640] : memref<204800x128xf32, #tpu.memory_space<hbm>> -> memref<64x128xf32, #tpu.memory_space<hbm>>
      %dma_start3A_642 = arith.constant 0 : i32
      %dma_start3A_643 = arith.constant 0 : i32
      %dma_start3A_644 = tpu.memref_slice %arg6[%dma_start3A_630, %dma_start3A_642, %dma_start3A_643] : memref<10x64x128xf32, #tpu.memory_space<vmem>> -> memref<1x64x128xf32, #tpu.memory_space<vmem>>
      %dma_start3A_645 = tpu.memref_squeeze %dma_start3A_644 : memref<1x64x128xf32, #tpu.memory_space<vmem>> -> memref<64x128xf32, #tpu.memory_space<vmem>>
      tpu.enqueue_dma source(%dma_start3A_645 : memref<64x128xf32, #tpu.memory_space<vmem>>) target(%dma_start3A_641 : memref<64x128xf32, #tpu.memory_space<hbm>>) target_semaphore(%dma_start3A_639 : memref<!tpu.dma_semaphore, #tpu.memory_space<semaphore_mem>>)
      %add3A_646 = arith.constant 10 : i32
      %add3A_647 = arith.addi %add3A_612, %add3A_646 : i32
      %lt3A_648 = arith.constant 100 : i32
      %lt3A_649 = arith.cmpi slt, %add3A_647, %lt3A_648 : i32
      %convert_element_type3A_650 = arith.extui %lt3A_649 : i1 to i32
      %cond3A_651 = arith.constant 0 : i32
      %cond3A_652 = arith.cmpi ne, %convert_element_type3A_650, %cond3A_651 : i32
      scf.if %cond3A_652 {
        %mul3A_737 = arith.constant 64 : i32
        %mul3A_738 = arith.muli %add3A_612, %mul3A_737 : i32
        %add3A_739 = arith.addi %mul3A_2, %mul3A_738 : i32
        %dma_wait3A_740 = arith.constant 7 : i32
        %dma_wait3A_741 = arith.constant 7 : i32
        %dma_wait3A_742 = arith.constant 0 : i32
        %dma_wait3A_743 = arith.constant 0 : i32
        %dma_wait3A_744 = tpu.memref_slice %arg6[%dma_wait3A_740, %dma_wait3A_742, %dma_wait3A_743] : memref<10x64x128xf32, #tpu.memory_space<vmem>> -> memref<1x64x128xf32, #tpu.memory_space<vmem>>
        %dma_wait3A_745 = tpu.memref_squeeze %dma_wait3A_744 : memref<1x64x128xf32, #tpu.memory_space<vmem>> -> memref<64x128xf32, #tpu.memory_space<vmem>>
        %dma_wait3A_746 = arith.constant 0 : i32
        %dma_wait3A_747 = tpu.memref_slice %arg4[%add3A_739, %dma_wait3A_746] : memref<204800x128xf32, #tpu.memory_space<hbm>> -> memref<64x128xf32, #tpu.memory_space<hbm>>
        %dma_wait3A_748 = tpu.memref_slice %arg8[%dma_wait3A_741] : memref<10x!tpu.dma_semaphore, #tpu.memory_space<semaphore_mem>> -> memref<1x!tpu.dma_semaphore, #tpu.memory_space<semaphore_mem>>
        %dma_wait3A_749 = tpu.memref_squeeze %dma_wait3A_748 : memref<1x!tpu.dma_semaphore, #tpu.memory_space<semaphore_mem>> -> memref<!tpu.dma_semaphore, #tpu.memory_space<semaphore_mem>>
        %dma_wait3A_750 = arith.constant 0 : i32
        %dma_wait3A_751 = tpu.memref_slice %arg4[%add3A_739, %dma_wait3A_750] : memref<204800x128xf32, #tpu.memory_space<hbm>> -> memref<64x128xf32, #tpu.memory_space<hbm>>
        %dma_wait3A_752 = arith.constant 0 : i32
        %dma_wait3A_753 = arith.constant 0 : i32
        %dma_wait3A_754 = tpu.memref_slice %arg6[%dma_wait3A_740, %dma_wait3A_752, %dma_wait3A_753] : memref<10x64x128xf32, #tpu.memory_space<vmem>> -> memref<1x64x128xf32, #tpu.memory_space<vmem>>
        %dma_wait3A_755 = tpu.memref_squeeze %dma_wait3A_754 : memref<1x64x128xf32, #tpu.memory_space<vmem>> -> memref<64x128xf32, #tpu.memory_space<vmem>>
        tpu.wait_dma2 semaphore(%dma_wait3A_749 : memref<!tpu.dma_semaphore, #tpu.memory_space<semaphore_mem>>) src(%dma_wait3A_755 : memref<64x128xf32, #tpu.memory_space<vmem>>) dst(%dma_wait3A_751 : memref<64x128xf32, #tpu.memory_space<hbm>>)
        %add3A_756 = arith.constant 10 : i32
        %add3A_757 = arith.addi %add3A_612, %add3A_756 : i32
        %mul3A_758 = arith.constant 64 : i32
        %mul3A_759 = arith.muli %add3A_757, %mul3A_758 : i32
        %dma_start3A_760 = arith.constant 7 : i32
        %dma_start3A_761 = arith.constant 7 : i32
        %dma_start3A_762 = arith.constant 0 : i32
        %dma_start3A_763 = arith.constant 0 : i32
        %dma_start3A_764 = tpu.memref_slice %arg6[%dma_start3A_760, %dma_start3A_762, %dma_start3A_763] : memref<10x64x128xf32, #tpu.memory_space<vmem>> -> memref<1x64x128xf32, #tpu.memory_space<vmem>>
        %dma_start3A_765 = tpu.memref_squeeze %dma_start3A_764 : memref<1x64x128xf32, #tpu.memory_space<vmem>> -> memref<64x128xf32, #tpu.memory_space<vmem>>
        %dma_start3A_766 = tpu.memref_slice %arg5[%mul3A_759] : memref<6400xi32, #tpu.memory_space<vmem>> -> memref<64xi32, #tpu.memory_space<vmem>>
        %dma_start3A_767 = arith.constant 0 : i32
        %dma_start3A_768 = arith.constant 0 : i32
        %dma_start3A_769 = tpu.memref_slice %arg2[%dma_start3A_767, %dma_start3A_768] : memref<100000x128xf32, #tpu.memory_space<hbm>> -> memref<100000x128xf32, #tpu.memory_space<hbm>>
        %dma_start3A_770 = tpu.memref_slice %arg7[%dma_start3A_761] : memref<10x!tpu.dma_semaphore, #tpu.memory_space<semaphore_mem>> -> memref<1x!tpu.dma_semaphore, #tpu.memory_space<semaphore_mem>>
        %dma_start3A_771 = tpu.memref_squeeze %dma_start3A_770 : memref<1x!tpu.dma_semaphore, #tpu.memory_space<semaphore_mem>> -> memref<!tpu.dma_semaphore, #tpu.memory_space<semaphore_mem>>
        tpu.enqueue_indirect_dma source(%dma_start3A_769 : memref<100000x128xf32, #tpu.memory_space<hbm>>) target(%dma_start3A_765 : memref<64x128xf32, #tpu.memory_space<vmem>>) offsets(%dma_start3A_766 : memref<64xi32, #tpu.memory_space<vmem>>) semaphore(%dma_start3A_771 : memref<!tpu.dma_semaphore, #tpu.memory_space<semaphore_mem>>)
      } else {
      }
      %add3A_653 = arith.constant 8 : i32
      %add3A_654 = arith.addi %add3A_319, %add3A_653 : i32
      %mul3A_655 = arith.constant 64 : i32
      %mul3A_656 = arith.muli %add3A_654, %mul3A_655 : i32
      %dma_wait3A_657 = arith.constant 8 : i32
      %dma_wait3A_658 = arith.constant 8 : i32
      %dma_wait3A_659 = arith.constant 0 : i32
      %dma_wait3A_660 = arith.constant 0 : i32
      %dma_wait3A_661 = tpu.memref_slice %arg6[%dma_wait3A_657, %dma_wait3A_659, %dma_wait3A_660] : memref<10x64x128xf32, #tpu.memory_space<vmem>> -> memref<1x64x128xf32, #tpu.memory_space<vmem>>
      %dma_wait3A_662 = tpu.memref_squeeze %dma_wait3A_661 : memref<1x64x128xf32, #tpu.memory_space<vmem>> -> memref<64x128xf32, #tpu.memory_space<vmem>>
      %dma_wait3A_663 = tpu.memref_slice %arg5[%mul3A_656] : memref<6400xi32, #tpu.memory_space<vmem>> -> memref<64xi32, #tpu.memory_space<vmem>>
      %dma_wait3A_664 = arith.constant 0 : i32
      %dma_wait3A_665 = arith.constant 0 : i32
      %dma_wait3A_666 = tpu.memref_slice %arg2[%dma_wait3A_664, %dma_wait3A_665] : memref<100000x128xf32, #tpu.memory_space<hbm>> -> memref<100000x128xf32, #tpu.memory_space<hbm>>
      %dma_wait3A_667 = tpu.memref_slice %arg7[%dma_wait3A_658] : memref<10x!tpu.dma_semaphore, #tpu.memory_space<semaphore_mem>> -> memref<1x!tpu.dma_semaphore, #tpu.memory_space<semaphore_mem>>
      %dma_wait3A_668 = tpu.memref_squeeze %dma_wait3A_667 : memref<1x!tpu.dma_semaphore, #tpu.memory_space<semaphore_mem>> -> memref<!tpu.dma_semaphore, #tpu.memory_space<semaphore_mem>>
      tpu.wait_indirect_dma semaphore(%dma_wait3A_668 : memref<!tpu.dma_semaphore, #tpu.memory_space<semaphore_mem>>) src(%dma_wait3A_666 : memref<100000x128xf32, #tpu.memory_space<hbm>>) dst(%dma_wait3A_662 : memref<64x128xf32, #tpu.memory_space<vmem>>)
      %mul3A_669 = arith.constant 64 : i32
      %mul3A_670 = arith.muli %add3A_654, %mul3A_669 : i32
      %add3A_671 = arith.addi %mul3A_2, %mul3A_670 : i32
      %dma_start3A_672 = arith.constant 8 : i32
      %dma_start3A_673 = arith.constant 8 : i32
      %dma_start3A_674 = arith.constant 0 : i32
      %dma_start3A_675 = arith.constant 0 : i32
      %dma_start3A_676 = tpu.memref_slice %arg6[%dma_start3A_672, %dma_start3A_674, %dma_start3A_675] : memref<10x64x128xf32, #tpu.memory_space<vmem>> -> memref<1x64x128xf32, #tpu.memory_space<vmem>>
      %dma_start3A_677 = tpu.memref_squeeze %dma_start3A_676 : memref<1x64x128xf32, #tpu.memory_space<vmem>> -> memref<64x128xf32, #tpu.memory_space<vmem>>
      %dma_start3A_678 = arith.constant 0 : i32
      %dma_start3A_679 = tpu.memref_slice %arg4[%add3A_671, %dma_start3A_678] : memref<204800x128xf32, #tpu.memory_space<hbm>> -> memref<64x128xf32, #tpu.memory_space<hbm>>
      %dma_start3A_680 = tpu.memref_slice %arg8[%dma_start3A_673] : memref<10x!tpu.dma_semaphore, #tpu.memory_space<semaphore_mem>> -> memref<1x!tpu.dma_semaphore, #tpu.memory_space<semaphore_mem>>
      %dma_start3A_681 = tpu.memref_squeeze %dma_start3A_680 : memref<1x!tpu.dma_semaphore, #tpu.memory_space<semaphore_mem>> -> memref<!tpu.dma_semaphore, #tpu.memory_space<semaphore_mem>>
      %dma_start3A_682 = arith.constant 0 : i32
      %dma_start3A_683 = tpu.memref_slice %arg4[%add3A_671, %dma_start3A_682] : memref<204800x128xf32, #tpu.memory_space<hbm>> -> memref<64x128xf32, #tpu.memory_space<hbm>>
      %dma_start3A_684 = arith.constant 0 : i32
      %dma_start3A_685 = arith.constant 0 : i32
      %dma_start3A_686 = tpu.memref_slice %arg6[%dma_start3A_672, %dma_start3A_684, %dma_start3A_685] : memref<10x64x128xf32, #tpu.memory_space<vmem>> -> memref<1x64x128xf32, #tpu.memory_space<vmem>>
      %dma_start3A_687 = tpu.memref_squeeze %dma_start3A_686 : memref<1x64x128xf32, #tpu.memory_space<vmem>> -> memref<64x128xf32, #tpu.memory_space<vmem>>
      tpu.enqueue_dma source(%dma_start3A_687 : memref<64x128xf32, #tpu.memory_space<vmem>>) target(%dma_start3A_683 : memref<64x128xf32, #tpu.memory_space<hbm>>) target_semaphore(%dma_start3A_681 : memref<!tpu.dma_semaphore, #tpu.memory_space<semaphore_mem>>)
      %add3A_688 = arith.constant 10 : i32
      %add3A_689 = arith.addi %add3A_654, %add3A_688 : i32
      %lt3A_690 = arith.constant 100 : i32
      %lt3A_691 = arith.cmpi slt, %add3A_689, %lt3A_690 : i32
      %convert_element_type3A_692 = arith.extui %lt3A_691 : i1 to i32
      %cond3A_693 = arith.constant 0 : i32
      %cond3A_694 = arith.cmpi ne, %convert_element_type3A_692, %cond3A_693 : i32
      scf.if %cond3A_694 {
        %mul3A_737 = arith.constant 64 : i32
        %mul3A_738 = arith.muli %add3A_654, %mul3A_737 : i32
        %add3A_739 = arith.addi %mul3A_2, %mul3A_738 : i32
        %dma_wait3A_740 = arith.constant 8 : i32
        %dma_wait3A_741 = arith.constant 8 : i32
        %dma_wait3A_742 = arith.constant 0 : i32
        %dma_wait3A_743 = arith.constant 0 : i32
        %dma_wait3A_744 = tpu.memref_slice %arg6[%dma_wait3A_740, %dma_wait3A_742, %dma_wait3A_743] : memref<10x64x128xf32, #tpu.memory_space<vmem>> -> memref<1x64x128xf32, #tpu.memory_space<vmem>>
        %dma_wait3A_745 = tpu.memref_squeeze %dma_wait3A_744 : memref<1x64x128xf32, #tpu.memory_space<vmem>> -> memref<64x128xf32, #tpu.memory_space<vmem>>
        %dma_wait3A_746 = arith.constant 0 : i32
        %dma_wait3A_747 = tpu.memref_slice %arg4[%add3A_739, %dma_wait3A_746] : memref<204800x128xf32, #tpu.memory_space<hbm>> -> memref<64x128xf32, #tpu.memory_space<hbm>>
        %dma_wait3A_748 = tpu.memref_slice %arg8[%dma_wait3A_741] : memref<10x!tpu.dma_semaphore, #tpu.memory_space<semaphore_mem>> -> memref<1x!tpu.dma_semaphore, #tpu.memory_space<semaphore_mem>>
        %dma_wait3A_749 = tpu.memref_squeeze %dma_wait3A_748 : memref<1x!tpu.dma_semaphore, #tpu.memory_space<semaphore_mem>> -> memref<!tpu.dma_semaphore, #tpu.memory_space<semaphore_mem>>
        %dma_wait3A_750 = arith.constant 0 : i32
        %dma_wait3A_751 = tpu.memref_slice %arg4[%add3A_739, %dma_wait3A_750] : memref<204800x128xf32, #tpu.memory_space<hbm>> -> memref<64x128xf32, #tpu.memory_space<hbm>>
        %dma_wait3A_752 = arith.constant 0 : i32
        %dma_wait3A_753 = arith.constant 0 : i32
        %dma_wait3A_754 = tpu.memref_slice %arg6[%dma_wait3A_740, %dma_wait3A_752, %dma_wait3A_753] : memref<10x64x128xf32, #tpu.memory_space<vmem>> -> memref<1x64x128xf32, #tpu.memory_space<vmem>>
        %dma_wait3A_755 = tpu.memref_squeeze %dma_wait3A_754 : memref<1x64x128xf32, #tpu.memory_space<vmem>> -> memref<64x128xf32, #tpu.memory_space<vmem>>
        tpu.wait_dma2 semaphore(%dma_wait3A_749 : memref<!tpu.dma_semaphore, #tpu.memory_space<semaphore_mem>>) src(%dma_wait3A_755 : memref<64x128xf32, #tpu.memory_space<vmem>>) dst(%dma_wait3A_751 : memref<64x128xf32, #tpu.memory_space<hbm>>)
        %add3A_756 = arith.constant 10 : i32
        %add3A_757 = arith.addi %add3A_654, %add3A_756 : i32
        %mul3A_758 = arith.constant 64 : i32
        %mul3A_759 = arith.muli %add3A_757, %mul3A_758 : i32
        %dma_start3A_760 = arith.constant 8 : i32
        %dma_start3A_761 = arith.constant 8 : i32
        %dma_start3A_762 = arith.constant 0 : i32
        %dma_start3A_763 = arith.constant 0 : i32
        %dma_start3A_764 = tpu.memref_slice %arg6[%dma_start3A_760, %dma_start3A_762, %dma_start3A_763] : memref<10x64x128xf32, #tpu.memory_space<vmem>> -> memref<1x64x128xf32, #tpu.memory_space<vmem>>
        %dma_start3A_765 = tpu.memref_squeeze %dma_start3A_764 : memref<1x64x128xf32, #tpu.memory_space<vmem>> -> memref<64x128xf32, #tpu.memory_space<vmem>>
        %dma_start3A_766 = tpu.memref_slice %arg5[%mul3A_759] : memref<6400xi32, #tpu.memory_space<vmem>> -> memref<64xi32, #tpu.memory_space<vmem>>
        %dma_start3A_767 = arith.constant 0 : i32
        %dma_start3A_768 = arith.constant 0 : i32
        %dma_start3A_769 = tpu.memref_slice %arg2[%dma_start3A_767, %dma_start3A_768] : memref<100000x128xf32, #tpu.memory_space<hbm>> -> memref<100000x128xf32, #tpu.memory_space<hbm>>
        %dma_start3A_770 = tpu.memref_slice %arg7[%dma_start3A_761] : memref<10x!tpu.dma_semaphore, #tpu.memory_space<semaphore_mem>> -> memref<1x!tpu.dma_semaphore, #tpu.memory_space<semaphore_mem>>
        %dma_start3A_771 = tpu.memref_squeeze %dma_start3A_770 : memref<1x!tpu.dma_semaphore, #tpu.memory_space<semaphore_mem>> -> memref<!tpu.dma_semaphore, #tpu.memory_space<semaphore_mem>>
        tpu.enqueue_indirect_dma source(%dma_start3A_769 : memref<100000x128xf32, #tpu.memory_space<hbm>>) target(%dma_start3A_765 : memref<64x128xf32, #tpu.memory_space<vmem>>) offsets(%dma_start3A_766 : memref<64xi32, #tpu.memory_space<vmem>>) semaphore(%dma_start3A_771 : memref<!tpu.dma_semaphore, #tpu.memory_space<semaphore_mem>>)
      } else {
      }
      %add3A_695 = arith.constant 9 : i32
      %add3A_696 = arith.addi %add3A_319, %add3A_695 : i32
      %mul3A_697 = arith.constant 64 : i32
      %mul3A_698 = arith.muli %add3A_696, %mul3A_697 : i32
      %dma_wait3A_699 = arith.constant 9 : i32
      %dma_wait3A_700 = arith.constant 9 : i32
      %dma_wait3A_701 = arith.constant 0 : i32
      %dma_wait3A_702 = arith.constant 0 : i32
      %dma_wait3A_703 = tpu.memref_slice %arg6[%dma_wait3A_699, %dma_wait3A_701, %dma_wait3A_702] : memref<10x64x128xf32, #tpu.memory_space<vmem>> -> memref<1x64x128xf32, #tpu.memory_space<vmem>>
      %dma_wait3A_704 = tpu.memref_squeeze %dma_wait3A_703 : memref<1x64x128xf32, #tpu.memory_space<vmem>> -> memref<64x128xf32, #tpu.memory_space<vmem>>
      %dma_wait3A_705 = tpu.memref_slice %arg5[%mul3A_698] : memref<6400xi32, #tpu.memory_space<vmem>> -> memref<64xi32, #tpu.memory_space<vmem>>
      %dma_wait3A_706 = arith.constant 0 : i32
      %dma_wait3A_707 = arith.constant 0 : i32
      %dma_wait3A_708 = tpu.memref_slice %arg2[%dma_wait3A_706, %dma_wait3A_707] : memref<100000x128xf32, #tpu.memory_space<hbm>> -> memref<100000x128xf32, #tpu.memory_space<hbm>>
      %dma_wait3A_709 = tpu.memref_slice %arg7[%dma_wait3A_700] : memref<10x!tpu.dma_semaphore, #tpu.memory_space<semaphore_mem>> -> memref<1x!tpu.dma_semaphore, #tpu.memory_space<semaphore_mem>>
      %dma_wait3A_710 = tpu.memref_squeeze %dma_wait3A_709 : memref<1x!tpu.dma_semaphore, #tpu.memory_space<semaphore_mem>> -> memref<!tpu.dma_semaphore, #tpu.memory_space<semaphore_mem>>
      tpu.wait_indirect_dma semaphore(%dma_wait3A_710 : memref<!tpu.dma_semaphore, #tpu.memory_space<semaphore_mem>>) src(%dma_wait3A_708 : memref<100000x128xf32, #tpu.memory_space<hbm>>) dst(%dma_wait3A_704 : memref<64x128xf32, #tpu.memory_space<vmem>>)
      %mul3A_711 = arith.constant 64 : i32
      %mul3A_712 = arith.muli %add3A_696, %mul3A_711 : i32
      %add3A_713 = arith.addi %mul3A_2, %mul3A_712 : i32
      %dma_start3A_714 = arith.constant 9 : i32
      %dma_start3A_715 = arith.constant 9 : i32
      %dma_start3A_716 = arith.constant 0 : i32
      %dma_start3A_717 = arith.constant 0 : i32
      %dma_start3A_718 = tpu.memref_slice %arg6[%dma_start3A_714, %dma_start3A_716, %dma_start3A_717] : memref<10x64x128xf32, #tpu.memory_space<vmem>> -> memref<1x64x128xf32, #tpu.memory_space<vmem>>
      %dma_start3A_719 = tpu.memref_squeeze %dma_start3A_718 : memref<1x64x128xf32, #tpu.memory_space<vmem>> -> memref<64x128xf32, #tpu.memory_space<vmem>>
      %dma_start3A_720 = arith.constant 0 : i32
      %dma_start3A_721 = tpu.memref_slice %arg4[%add3A_713, %dma_start3A_720] : memref<204800x128xf32, #tpu.memory_space<hbm>> -> memref<64x128xf32, #tpu.memory_space<hbm>>
      %dma_start3A_722 = tpu.memref_slice %arg8[%dma_start3A_715] : memref<10x!tpu.dma_semaphore, #tpu.memory_space<semaphore_mem>> -> memref<1x!tpu.dma_semaphore, #tpu.memory_space<semaphore_mem>>
      %dma_start3A_723 = tpu.memref_squeeze %dma_start3A_722 : memref<1x!tpu.dma_semaphore, #tpu.memory_space<semaphore_mem>> -> memref<!tpu.dma_semaphore, #tpu.memory_space<semaphore_mem>>
      %dma_start3A_724 = arith.constant 0 : i32
      %dma_start3A_725 = tpu.memref_slice %arg4[%add3A_713, %dma_start3A_724] : memref<204800x128xf32, #tpu.memory_space<hbm>> -> memref<64x128xf32, #tpu.memory_space<hbm>>
      %dma_start3A_726 = arith.constant 0 : i32
      %dma_start3A_727 = arith.constant 0 : i32
      %dma_start3A_728 = tpu.memref_slice %arg6[%dma_start3A_714, %dma_start3A_726, %dma_start3A_727] : memref<10x64x128xf32, #tpu.memory_space<vmem>> -> memref<1x64x128xf32, #tpu.memory_space<vmem>>
      %dma_start3A_729 = tpu.memref_squeeze %dma_start3A_728 : memref<1x64x128xf32, #tpu.memory_space<vmem>> -> memref<64x128xf32, #tpu.memory_space<vmem>>
      tpu.enqueue_dma source(%dma_start3A_729 : memref<64x128xf32, #tpu.memory_space<vmem>>) target(%dma_start3A_725 : memref<64x128xf32, #tpu.memory_space<hbm>>) target_semaphore(%dma_start3A_723 : memref<!tpu.dma_semaphore, #tpu.memory_space<semaphore_mem>>)
      %add3A_730 = arith.constant 10 : i32
      %add3A_731 = arith.addi %add3A_696, %add3A_730 : i32
      %lt3A_732 = arith.constant 100 : i32
      %lt3A_733 = arith.cmpi slt, %add3A_731, %lt3A_732 : i32
      %convert_element_type3A_734 = arith.extui %lt3A_733 : i1 to i32
      %cond3A_735 = arith.constant 0 : i32
      %cond3A_736 = arith.cmpi ne, %convert_element_type3A_734, %cond3A_735 : i32
      scf.if %cond3A_736 {
        %mul3A_737 = arith.constant 64 : i32
        %mul3A_738 = arith.muli %add3A_696, %mul3A_737 : i32
        %add3A_739 = arith.addi %mul3A_2, %mul3A_738 : i32
        %dma_wait3A_740 = arith.constant 9 : i32
        %dma_wait3A_741 = arith.constant 9 : i32
        %dma_wait3A_742 = arith.constant 0 : i32
        %dma_wait3A_743 = arith.constant 0 : i32
        %dma_wait3A_744 = tpu.memref_slice %arg6[%dma_wait3A_740, %dma_wait3A_742, %dma_wait3A_743] : memref<10x64x128xf32, #tpu.memory_space<vmem>> -> memref<1x64x128xf32, #tpu.memory_space<vmem>>
        %dma_wait3A_745 = tpu.memref_squeeze %dma_wait3A_744 : memref<1x64x128xf32, #tpu.memory_space<vmem>> -> memref<64x128xf32, #tpu.memory_space<vmem>>
        %dma_wait3A_746 = arith.constant 0 : i32
        %dma_wait3A_747 = tpu.memref_slice %arg4[%add3A_739, %dma_wait3A_746] : memref<204800x128xf32, #tpu.memory_space<hbm>> -> memref<64x128xf32, #tpu.memory_space<hbm>>
        %dma_wait3A_748 = tpu.memref_slice %arg8[%dma_wait3A_741] : memref<10x!tpu.dma_semaphore, #tpu.memory_space<semaphore_mem>> -> memref<1x!tpu.dma_semaphore, #tpu.memory_space<semaphore_mem>>
        %dma_wait3A_749 = tpu.memref_squeeze %dma_wait3A_748 : memref<1x!tpu.dma_semaphore, #tpu.memory_space<semaphore_mem>> -> memref<!tpu.dma_semaphore, #tpu.memory_space<semaphore_mem>>
        %dma_wait3A_750 = arith.constant 0 : i32
        %dma_wait3A_751 = tpu.memref_slice %arg4[%add3A_739, %dma_wait3A_750] : memref<204800x128xf32, #tpu.memory_space<hbm>> -> memref<64x128xf32, #tpu.memory_space<hbm>>
        %dma_wait3A_752 = arith.constant 0 : i32
        %dma_wait3A_753 = arith.constant 0 : i32
        %dma_wait3A_754 = tpu.memref_slice %arg6[%dma_wait3A_740, %dma_wait3A_752, %dma_wait3A_753] : memref<10x64x128xf32, #tpu.memory_space<vmem>> -> memref<1x64x128xf32, #tpu.memory_space<vmem>>
        %dma_wait3A_755 = tpu.memref_squeeze %dma_wait3A_754 : memref<1x64x128xf32, #tpu.memory_space<vmem>> -> memref<64x128xf32, #tpu.memory_space<vmem>>
        tpu.wait_dma2 semaphore(%dma_wait3A_749 : memref<!tpu.dma_semaphore, #tpu.memory_space<semaphore_mem>>) src(%dma_wait3A_755 : memref<64x128xf32, #tpu.memory_space<vmem>>) dst(%dma_wait3A_751 : memref<64x128xf32, #tpu.memory_space<hbm>>)
        %add3A_756 = arith.constant 10 : i32
        %add3A_757 = arith.addi %add3A_696, %add3A_756 : i32
        %mul3A_758 = arith.constant 64 : i32
        %mul3A_759 = arith.muli %add3A_757, %mul3A_758 : i32
        %dma_start3A_760 = arith.constant 9 : i32
        %dma_start3A_761 = arith.constant 9 : i32
        %dma_start3A_762 = arith.constant 0 : i32
        %dma_start3A_763 = arith.constant 0 : i32
        %dma_start3A_764 = tpu.memref_slice %arg6[%dma_start3A_760, %dma_start3A_762, %dma_start3A_763] : memref<10x64x128xf32, #tpu.memory_space<vmem>> -> memref<1x64x128xf32, #tpu.memory_space<vmem>>
        %dma_start3A_765 = tpu.memref_squeeze %dma_start3A_764 : memref<1x64x128xf32, #tpu.memory_space<vmem>> -> memref<64x128xf32, #tpu.memory_space<vmem>>
        %dma_start3A_766 = tpu.memref_slice %arg5[%mul3A_759] : memref<6400xi32, #tpu.memory_space<vmem>> -> memref<64xi32, #tpu.memory_space<vmem>>
        %dma_start3A_767 = arith.constant 0 : i32
        %dma_start3A_768 = arith.constant 0 : i32
        %dma_start3A_769 = tpu.memref_slice %arg2[%dma_start3A_767, %dma_start3A_768] : memref<100000x128xf32, #tpu.memory_space<hbm>> -> memref<100000x128xf32, #tpu.memory_space<hbm>>
        %dma_start3A_770 = tpu.memref_slice %arg7[%dma_start3A_761] : memref<10x!tpu.dma_semaphore, #tpu.memory_space<semaphore_mem>> -> memref<1x!tpu.dma_semaphore, #tpu.memory_space<semaphore_mem>>
        %dma_start3A_771 = tpu.memref_squeeze %dma_start3A_770 : memref<1x!tpu.dma_semaphore, #tpu.memory_space<semaphore_mem>> -> memref<!tpu.dma_semaphore, #tpu.memory_space<semaphore_mem>>
        tpu.enqueue_indirect_dma source(%dma_start3A_769 : memref<100000x128xf32, #tpu.memory_space<hbm>>) target(%dma_start3A_765 : memref<64x128xf32, #tpu.memory_space<vmem>>) offsets(%dma_start3A_766 : memref<64xi32, #tpu.memory_space<vmem>>) semaphore(%dma_start3A_771 : memref<!tpu.dma_semaphore, #tpu.memory_space<semaphore_mem>>)
      } else {
      }
    }
    %scan3A_135 = arith.constant 10 : i32
    %add3A_136 = arith.constant 5760 : i32
    %add3A_137 = arith.addi %mul3A_2, %add3A_136 : i32
    %dma_wait3A = arith.constant 0 : i32
    %dma_wait3A_138 = arith.constant 0 : i32
    %dma_wait3A_139 = arith.constant 0 : i32
    %dma_wait3A_140 = arith.constant 0 : i32
    %dma_wait3A_141 = tpu.memref_slice %arg6[%dma_wait3A, %dma_wait3A_139, %dma_wait3A_140] : memref<10x64x128xf32, #tpu.memory_space<vmem>> -> memref<1x64x128xf32, #tpu.memory_space<vmem>>
    %dma_wait3A_142 = tpu.memref_squeeze %dma_wait3A_141 : memref<1x64x128xf32, #tpu.memory_space<vmem>> -> memref<64x128xf32, #tpu.memory_space<vmem>>
    %dma_wait3A_143 = arith.constant 0 : i32
    %dma_wait3A_144 = tpu.memref_slice %arg4[%add3A_137, %dma_wait3A_143] : memref<204800x128xf32, #tpu.memory_space<hbm>> -> memref<64x128xf32, #tpu.memory_space<hbm>>
    %dma_wait3A_145 = tpu.memref_slice %arg8[%dma_wait3A_138] : memref<10x!tpu.dma_semaphore, #tpu.memory_space<semaphore_mem>> -> memref<1x!tpu.dma_semaphore, #tpu.memory_space<semaphore_mem>>
    %dma_wait3A_146 = tpu.memref_squeeze %dma_wait3A_145 : memref<1x!tpu.dma_semaphore, #tpu.memory_space<semaphore_mem>> -> memref<!tpu.dma_semaphore, #tpu.memory_space<semaphore_mem>>
    %dma_wait3A_147 = arith.constant 0 : i32
    %dma_wait3A_148 = tpu.memref_slice %arg4[%add3A_137, %dma_wait3A_147] : memref<204800x128xf32, #tpu.memory_space<hbm>> -> memref<64x128xf32, #tpu.memory_space<hbm>>
    %dma_wait3A_149 = arith.constant 0 : i32
    %dma_wait3A_150 = arith.constant 0 : i32
    %dma_wait3A_151 = tpu.memref_slice %arg6[%dma_wait3A, %dma_wait3A_149, %dma_wait3A_150] : memref<10x64x128xf32, #tpu.memory_space<vmem>> -> memref<1x64x128xf32, #tpu.memory_space<vmem>>
    %dma_wait3A_152 = tpu.memref_squeeze %dma_wait3A_151 : memref<1x64x128xf32, #tpu.memory_space<vmem>> -> memref<64x128xf32, #tpu.memory_space<vmem>>
    tpu.wait_dma2 semaphore(%dma_wait3A_146 : memref<!tpu.dma_semaphore, #tpu.memory_space<semaphore_mem>>) src(%dma_wait3A_152 : memref<64x128xf32, #tpu.memory_space<vmem>>) dst(%dma_wait3A_148 : memref<64x128xf32, #tpu.memory_space<hbm>>)
    %add3A_153 = arith.constant 5824 : i32
    %add3A_154 = arith.addi %mul3A_2, %add3A_153 : i32
    %dma_wait3A_155 = arith.constant 1 : i32
    %dma_wait3A_156 = arith.constant 1 : i32
    %dma_wait3A_157 = arith.constant 0 : i32
    %dma_wait3A_158 = arith.constant 0 : i32
    %dma_wait3A_159 = tpu.memref_slice %arg6[%dma_wait3A_155, %dma_wait3A_157, %dma_wait3A_158] : memref<10x64x128xf32, #tpu.memory_space<vmem>> -> memref<1x64x128xf32, #tpu.memory_space<vmem>>
    %dma_wait3A_160 = tpu.memref_squeeze %dma_wait3A_159 : memref<1x64x128xf32, #tpu.memory_space<vmem>> -> memref<64x128xf32, #tpu.memory_space<vmem>>
    %dma_wait3A_161 = arith.constant 0 : i32
    %dma_wait3A_162 = tpu.memref_slice %arg4[%add3A_154, %dma_wait3A_161] : memref<204800x128xf32, #tpu.memory_space<hbm>> -> memref<64x128xf32, #tpu.memory_space<hbm>>
    %dma_wait3A_163 = tpu.memref_slice %arg8[%dma_wait3A_156] : memref<10x!tpu.dma_semaphore, #tpu.memory_space<semaphore_mem>> -> memref<1x!tpu.dma_semaphore, #tpu.memory_space<semaphore_mem>>
    %dma_wait3A_164 = tpu.memref_squeeze %dma_wait3A_163 : memref<1x!tpu.dma_semaphore, #tpu.memory_space<semaphore_mem>> -> memref<!tpu.dma_semaphore, #tpu.memory_space<semaphore_mem>>
    %dma_wait3A_165 = arith.constant 0 : i32
    %dma_wait3A_166 = tpu.memref_slice %arg4[%add3A_154, %dma_wait3A_165] : memref<204800x128xf32, #tpu.memory_space<hbm>> -> memref<64x128xf32, #tpu.memory_space<hbm>>
    %dma_wait3A_167 = arith.constant 0 : i32
    %dma_wait3A_168 = arith.constant 0 : i32
    %dma_wait3A_169 = tpu.memref_slice %arg6[%dma_wait3A_155, %dma_wait3A_167, %dma_wait3A_168] : memref<10x64x128xf32, #tpu.memory_space<vmem>> -> memref<1x64x128xf32, #tpu.memory_space<vmem>>
    %dma_wait3A_170 = tpu.memref_squeeze %dma_wait3A_169 : memref<1x64x128xf32, #tpu.memory_space<vmem>> -> memref<64x128xf32, #tpu.memory_space<vmem>>
    tpu.wait_dma2 semaphore(%dma_wait3A_164 : memref<!tpu.dma_semaphore, #tpu.memory_space<semaphore_mem>>) src(%dma_wait3A_170 : memref<64x128xf32, #tpu.memory_space<vmem>>) dst(%dma_wait3A_166 : memref<64x128xf32, #tpu.memory_space<hbm>>)
    %add3A_171 = arith.constant 5888 : i32
    %add3A_172 = arith.addi %mul3A_2, %add3A_171 : i32
    %dma_wait3A_173 = arith.constant 2 : i32
    %dma_wait3A_174 = arith.constant 2 : i32
    %dma_wait3A_175 = arith.constant 0 : i32
    %dma_wait3A_176 = arith.constant 0 : i32
    %dma_wait3A_177 = tpu.memref_slice %arg6[%dma_wait3A_173, %dma_wait3A_175, %dma_wait3A_176] : memref<10x64x128xf32, #tpu.memory_space<vmem>> -> memref<1x64x128xf32, #tpu.memory_space<vmem>>
    %dma_wait3A_178 = tpu.memref_squeeze %dma_wait3A_177 : memref<1x64x128xf32, #tpu.memory_space<vmem>> -> memref<64x128xf32, #tpu.memory_space<vmem>>
    %dma_wait3A_179 = arith.constant 0 : i32
    %dma_wait3A_180 = tpu.memref_slice %arg4[%add3A_172, %dma_wait3A_179] : memref<204800x128xf32, #tpu.memory_space<hbm>> -> memref<64x128xf32, #tpu.memory_space<hbm>>
    %dma_wait3A_181 = tpu.memref_slice %arg8[%dma_wait3A_174] : memref<10x!tpu.dma_semaphore, #tpu.memory_space<semaphore_mem>> -> memref<1x!tpu.dma_semaphore, #tpu.memory_space<semaphore_mem>>
    %dma_wait3A_182 = tpu.memref_squeeze %dma_wait3A_181 : memref<1x!tpu.dma_semaphore, #tpu.memory_space<semaphore_mem>> -> memref<!tpu.dma_semaphore, #tpu.memory_space<semaphore_mem>>
    %dma_wait3A_183 = arith.constant 0 : i32
    %dma_wait3A_184 = tpu.memref_slice %arg4[%add3A_172, %dma_wait3A_183] : memref<204800x128xf32, #tpu.memory_space<hbm>> -> memref<64x128xf32, #tpu.memory_space<hbm>>
    %dma_wait3A_185 = arith.constant 0 : i32
    %dma_wait3A_186 = arith.constant 0 : i32
    %dma_wait3A_187 = tpu.memref_slice %arg6[%dma_wait3A_173, %dma_wait3A_185, %dma_wait3A_186] : memref<10x64x128xf32, #tpu.memory_space<vmem>> -> memref<1x64x128xf32, #tpu.memory_space<vmem>>
    %dma_wait3A_188 = tpu.memref_squeeze %dma_wait3A_187 : memref<1x64x128xf32, #tpu.memory_space<vmem>> -> memref<64x128xf32, #tpu.memory_space<vmem>>
    tpu.wait_dma2 semaphore(%dma_wait3A_182 : memref<!tpu.dma_semaphore, #tpu.memory_space<semaphore_mem>>) src(%dma_wait3A_188 : memref<64x128xf32, #tpu.memory_space<vmem>>) dst(%dma_wait3A_184 : memref<64x128xf32, #tpu.memory_space<hbm>>)
    %add3A_189 = arith.constant 5952 : i32
    %add3A_190 = arith.addi %mul3A_2, %add3A_189 : i32
    %dma_wait3A_191 = arith.constant 3 : i32
    %dma_wait3A_192 = arith.constant 3 : i32
    %dma_wait3A_193 = arith.constant 0 : i32
    %dma_wait3A_194 = arith.constant 0 : i32
    %dma_wait3A_195 = tpu.memref_slice %arg6[%dma_wait3A_191, %dma_wait3A_193, %dma_wait3A_194] : memref<10x64x128xf32, #tpu.memory_space<vmem>> -> memref<1x64x128xf32, #tpu.memory_space<vmem>>
    %dma_wait3A_196 = tpu.memref_squeeze %dma_wait3A_195 : memref<1x64x128xf32, #tpu.memory_space<vmem>> -> memref<64x128xf32, #tpu.memory_space<vmem>>
    %dma_wait3A_197 = arith.constant 0 : i32
    %dma_wait3A_198 = tpu.memref_slice %arg4[%add3A_190, %dma_wait3A_197] : memref<204800x128xf32, #tpu.memory_space<hbm>> -> memref<64x128xf32, #tpu.memory_space<hbm>>
    %dma_wait3A_199 = tpu.memref_slice %arg8[%dma_wait3A_192] : memref<10x!tpu.dma_semaphore, #tpu.memory_space<semaphore_mem>> -> memref<1x!tpu.dma_semaphore, #tpu.memory_space<semaphore_mem>>
    %dma_wait3A_200 = tpu.memref_squeeze %dma_wait3A_199 : memref<1x!tpu.dma_semaphore, #tpu.memory_space<semaphore_mem>> -> memref<!tpu.dma_semaphore, #tpu.memory_space<semaphore_mem>>
    %dma_wait3A_201 = arith.constant 0 : i32
    %dma_wait3A_202 = tpu.memref_slice %arg4[%add3A_190, %dma_wait3A_201] : memref<204800x128xf32, #tpu.memory_space<hbm>> -> memref<64x128xf32, #tpu.memory_space<hbm>>
    %dma_wait3A_203 = arith.constant 0 : i32
    %dma_wait3A_204 = arith.constant 0 : i32
    %dma_wait3A_205 = tpu.memref_slice %arg6[%dma_wait3A_191, %dma_wait3A_203, %dma_wait3A_204] : memref<10x64x128xf32, #tpu.memory_space<vmem>> -> memref<1x64x128xf32, #tpu.memory_space<vmem>>
    %dma_wait3A_206 = tpu.memref_squeeze %dma_wait3A_205 : memref<1x64x128xf32, #tpu.memory_space<vmem>> -> memref<64x128xf32, #tpu.memory_space<vmem>>
    tpu.wait_dma2 semaphore(%dma_wait3A_200 : memref<!tpu.dma_semaphore, #tpu.memory_space<semaphore_mem>>) src(%dma_wait3A_206 : memref<64x128xf32, #tpu.memory_space<vmem>>) dst(%dma_wait3A_202 : memref<64x128xf32, #tpu.memory_space<hbm>>)
    %add3A_207 = arith.constant 6016 : i32
    %add3A_208 = arith.addi %mul3A_2, %add3A_207 : i32
    %dma_wait3A_209 = arith.constant 4 : i32
    %dma_wait3A_210 = arith.constant 4 : i32
    %dma_wait3A_211 = arith.constant 0 : i32
    %dma_wait3A_212 = arith.constant 0 : i32
    %dma_wait3A_213 = tpu.memref_slice %arg6[%dma_wait3A_209, %dma_wait3A_211, %dma_wait3A_212] : memref<10x64x128xf32, #tpu.memory_space<vmem>> -> memref<1x64x128xf32, #tpu.memory_space<vmem>>
    %dma_wait3A_214 = tpu.memref_squeeze %dma_wait3A_213 : memref<1x64x128xf32, #tpu.memory_space<vmem>> -> memref<64x128xf32, #tpu.memory_space<vmem>>
    %dma_wait3A_215 = arith.constant 0 : i32
    %dma_wait3A_216 = tpu.memref_slice %arg4[%add3A_208, %dma_wait3A_215] : memref<204800x128xf32, #tpu.memory_space<hbm>> -> memref<64x128xf32, #tpu.memory_space<hbm>>
    %dma_wait3A_217 = tpu.memref_slice %arg8[%dma_wait3A_210] : memref<10x!tpu.dma_semaphore, #tpu.memory_space<semaphore_mem>> -> memref<1x!tpu.dma_semaphore, #tpu.memory_space<semaphore_mem>>
    %dma_wait3A_218 = tpu.memref_squeeze %dma_wait3A_217 : memref<1x!tpu.dma_semaphore, #tpu.memory_space<semaphore_mem>> -> memref<!tpu.dma_semaphore, #tpu.memory_space<semaphore_mem>>
    %dma_wait3A_219 = arith.constant 0 : i32
    %dma_wait3A_220 = tpu.memref_slice %arg4[%add3A_208, %dma_wait3A_219] : memref<204800x128xf32, #tpu.memory_space<hbm>> -> memref<64x128xf32, #tpu.memory_space<hbm>>
    %dma_wait3A_221 = arith.constant 0 : i32
    %dma_wait3A_222 = arith.constant 0 : i32
    %dma_wait3A_223 = tpu.memref_slice %arg6[%dma_wait3A_209, %dma_wait3A_221, %dma_wait3A_222] : memref<10x64x128xf32, #tpu.memory_space<vmem>> -> memref<1x64x128xf32, #tpu.memory_space<vmem>>
    %dma_wait3A_224 = tpu.memref_squeeze %dma_wait3A_223 : memref<1x64x128xf32, #tpu.memory_space<vmem>> -> memref<64x128xf32, #tpu.memory_space<vmem>>
    tpu.wait_dma2 semaphore(%dma_wait3A_218 : memref<!tpu.dma_semaphore, #tpu.memory_space<semaphore_mem>>) src(%dma_wait3A_224 : memref<64x128xf32, #tpu.memory_space<vmem>>) dst(%dma_wait3A_220 : memref<64x128xf32, #tpu.memory_space<hbm>>)
    %add3A_225 = arith.constant 6080 : i32
    %add3A_226 = arith.addi %mul3A_2, %add3A_225 : i32
    %dma_wait3A_227 = arith.constant 5 : i32
    %dma_wait3A_228 = arith.constant 5 : i32
    %dma_wait3A_229 = arith.constant 0 : i32
    %dma_wait3A_230 = arith.constant 0 : i32
    %dma_wait3A_231 = tpu.memref_slice %arg6[%dma_wait3A_227, %dma_wait3A_229, %dma_wait3A_230] : memref<10x64x128xf32, #tpu.memory_space<vmem>> -> memref<1x64x128xf32, #tpu.memory_space<vmem>>
    %dma_wait3A_232 = tpu.memref_squeeze %dma_wait3A_231 : memref<1x64x128xf32, #tpu.memory_space<vmem>> -> memref<64x128xf32, #tpu.memory_space<vmem>>
    %dma_wait3A_233 = arith.constant 0 : i32
    %dma_wait3A_234 = tpu.memref_slice %arg4[%add3A_226, %dma_wait3A_233] : memref<204800x128xf32, #tpu.memory_space<hbm>> -> memref<64x128xf32, #tpu.memory_space<hbm>>
    %dma_wait3A_235 = tpu.memref_slice %arg8[%dma_wait3A_228] : memref<10x!tpu.dma_semaphore, #tpu.memory_space<semaphore_mem>> -> memref<1x!tpu.dma_semaphore, #tpu.memory_space<semaphore_mem>>
    %dma_wait3A_236 = tpu.memref_squeeze %dma_wait3A_235 : memref<1x!tpu.dma_semaphore, #tpu.memory_space<semaphore_mem>> -> memref<!tpu.dma_semaphore, #tpu.memory_space<semaphore_mem>>
    %dma_wait3A_237 = arith.constant 0 : i32
    %dma_wait3A_238 = tpu.memref_slice %arg4[%add3A_226, %dma_wait3A_237] : memref<204800x128xf32, #tpu.memory_space<hbm>> -> memref<64x128xf32, #tpu.memory_space<hbm>>
    %dma_wait3A_239 = arith.constant 0 : i32
    %dma_wait3A_240 = arith.constant 0 : i32
    %dma_wait3A_241 = tpu.memref_slice %arg6[%dma_wait3A_227, %dma_wait3A_239, %dma_wait3A_240] : memref<10x64x128xf32, #tpu.memory_space<vmem>> -> memref<1x64x128xf32, #tpu.memory_space<vmem>>
    %dma_wait3A_242 = tpu.memref_squeeze %dma_wait3A_241 : memref<1x64x128xf32, #tpu.memory_space<vmem>> -> memref<64x128xf32, #tpu.memory_space<vmem>>
    tpu.wait_dma2 semaphore(%dma_wait3A_236 : memref<!tpu.dma_semaphore, #tpu.memory_space<semaphore_mem>>) src(%dma_wait3A_242 : memref<64x128xf32, #tpu.memory_space<vmem>>) dst(%dma_wait3A_238 : memref<64x128xf32, #tpu.memory_space<hbm>>)
    %add3A_243 = arith.constant 6144 : i32
    %add3A_244 = arith.addi %mul3A_2, %add3A_243 : i32
    %dma_wait3A_245 = arith.constant 6 : i32
    %dma_wait3A_246 = arith.constant 6 : i32
    %dma_wait3A_247 = arith.constant 0 : i32
    %dma_wait3A_248 = arith.constant 0 : i32
    %dma_wait3A_249 = tpu.memref_slice %arg6[%dma_wait3A_245, %dma_wait3A_247, %dma_wait3A_248] : memref<10x64x128xf32, #tpu.memory_space<vmem>> -> memref<1x64x128xf32, #tpu.memory_space<vmem>>
    %dma_wait3A_250 = tpu.memref_squeeze %dma_wait3A_249 : memref<1x64x128xf32, #tpu.memory_space<vmem>> -> memref<64x128xf32, #tpu.memory_space<vmem>>
    %dma_wait3A_251 = arith.constant 0 : i32
    %dma_wait3A_252 = tpu.memref_slice %arg4[%add3A_244, %dma_wait3A_251] : memref<204800x128xf32, #tpu.memory_space<hbm>> -> memref<64x128xf32, #tpu.memory_space<hbm>>
    %dma_wait3A_253 = tpu.memref_slice %arg8[%dma_wait3A_246] : memref<10x!tpu.dma_semaphore, #tpu.memory_space<semaphore_mem>> -> memref<1x!tpu.dma_semaphore, #tpu.memory_space<semaphore_mem>>
    %dma_wait3A_254 = tpu.memref_squeeze %dma_wait3A_253 : memref<1x!tpu.dma_semaphore, #tpu.memory_space<semaphore_mem>> -> memref<!tpu.dma_semaphore, #tpu.memory_space<semaphore_mem>>
    %dma_wait3A_255 = arith.constant 0 : i32
    %dma_wait3A_256 = tpu.memref_slice %arg4[%add3A_244, %dma_wait3A_255] : memref<204800x128xf32, #tpu.memory_space<hbm>> -> memref<64x128xf32, #tpu.memory_space<hbm>>
    %dma_wait3A_257 = arith.constant 0 : i32
    %dma_wait3A_258 = arith.constant 0 : i32
    %dma_wait3A_259 = tpu.memref_slice %arg6[%dma_wait3A_245, %dma_wait3A_257, %dma_wait3A_258] : memref<10x64x128xf32, #tpu.memory_space<vmem>> -> memref<1x64x128xf32, #tpu.memory_space<vmem>>
    %dma_wait3A_260 = tpu.memref_squeeze %dma_wait3A_259 : memref<1x64x128xf32, #tpu.memory_space<vmem>> -> memref<64x128xf32, #tpu.memory_space<vmem>>
    tpu.wait_dma2 semaphore(%dma_wait3A_254 : memref<!tpu.dma_semaphore, #tpu.memory_space<semaphore_mem>>) src(%dma_wait3A_260 : memref<64x128xf32, #tpu.memory_space<vmem>>) dst(%dma_wait3A_256 : memref<64x128xf32, #tpu.memory_space<hbm>>)
    %add3A_261 = arith.constant 6208 : i32
    %add3A_262 = arith.addi %mul3A_2, %add3A_261 : i32
    %dma_wait3A_263 = arith.constant 7 : i32
    %dma_wait3A_264 = arith.constant 7 : i32
    %dma_wait3A_265 = arith.constant 0 : i32
    %dma_wait3A_266 = arith.constant 0 : i32
    %dma_wait3A_267 = tpu.memref_slice %arg6[%dma_wait3A_263, %dma_wait3A_265, %dma_wait3A_266] : memref<10x64x128xf32, #tpu.memory_space<vmem>> -> memref<1x64x128xf32, #tpu.memory_space<vmem>>
    %dma_wait3A_268 = tpu.memref_squeeze %dma_wait3A_267 : memref<1x64x128xf32, #tpu.memory_space<vmem>> -> memref<64x128xf32, #tpu.memory_space<vmem>>
    %dma_wait3A_269 = arith.constant 0 : i32
    %dma_wait3A_270 = tpu.memref_slice %arg4[%add3A_262, %dma_wait3A_269] : memref<204800x128xf32, #tpu.memory_space<hbm>> -> memref<64x128xf32, #tpu.memory_space<hbm>>
    %dma_wait3A_271 = tpu.memref_slice %arg8[%dma_wait3A_264] : memref<10x!tpu.dma_semaphore, #tpu.memory_space<semaphore_mem>> -> memref<1x!tpu.dma_semaphore, #tpu.memory_space<semaphore_mem>>
    %dma_wait3A_272 = tpu.memref_squeeze %dma_wait3A_271 : memref<1x!tpu.dma_semaphore, #tpu.memory_space<semaphore_mem>> -> memref<!tpu.dma_semaphore, #tpu.memory_space<semaphore_mem>>
    %dma_wait3A_273 = arith.constant 0 : i32
    %dma_wait3A_274 = tpu.memref_slice %arg4[%add3A_262, %dma_wait3A_273] : memref<204800x128xf32, #tpu.memory_space<hbm>> -> memref<64x128xf32, #tpu.memory_space<hbm>>
    %dma_wait3A_275 = arith.constant 0 : i32
    %dma_wait3A_276 = arith.constant 0 : i32
    %dma_wait3A_277 = tpu.memref_slice %arg6[%dma_wait3A_263, %dma_wait3A_275, %dma_wait3A_276] : memref<10x64x128xf32, #tpu.memory_space<vmem>> -> memref<1x64x128xf32, #tpu.memory_space<vmem>>
    %dma_wait3A_278 = tpu.memref_squeeze %dma_wait3A_277 : memref<1x64x128xf32, #tpu.memory_space<vmem>> -> memref<64x128xf32, #tpu.memory_space<vmem>>
    tpu.wait_dma2 semaphore(%dma_wait3A_272 : memref<!tpu.dma_semaphore, #tpu.memory_space<semaphore_mem>>) src(%dma_wait3A_278 : memref<64x128xf32, #tpu.memory_space<vmem>>) dst(%dma_wait3A_274 : memref<64x128xf32, #tpu.memory_space<hbm>>)
    %add3A_279 = arith.constant 6272 : i32
    %add3A_280 = arith.addi %mul3A_2, %add3A_279 : i32
    %dma_wait3A_281 = arith.constant 8 : i32
    %dma_wait3A_282 = arith.constant 8 : i32
    %dma_wait3A_283 = arith.constant 0 : i32
    %dma_wait3A_284 = arith.constant 0 : i32
    %dma_wait3A_285 = tpu.memref_slice %arg6[%dma_wait3A_281, %dma_wait3A_283, %dma_wait3A_284] : memref<10x64x128xf32, #tpu.memory_space<vmem>> -> memref<1x64x128xf32, #tpu.memory_space<vmem>>
    %dma_wait3A_286 = tpu.memref_squeeze %dma_wait3A_285 : memref<1x64x128xf32, #tpu.memory_space<vmem>> -> memref<64x128xf32, #tpu.memory_space<vmem>>
    %dma_wait3A_287 = arith.constant 0 : i32
    %dma_wait3A_288 = tpu.memref_slice %arg4[%add3A_280, %dma_wait3A_287] : memref<204800x128xf32, #tpu.memory_space<hbm>> -> memref<64x128xf32, #tpu.memory_space<hbm>>
    %dma_wait3A_289 = tpu.memref_slice %arg8[%dma_wait3A_282] : memref<10x!tpu.dma_semaphore, #tpu.memory_space<semaphore_mem>> -> memref<1x!tpu.dma_semaphore, #tpu.memory_space<semaphore_mem>>
    %dma_wait3A_290 = tpu.memref_squeeze %dma_wait3A_289 : memref<1x!tpu.dma_semaphore, #tpu.memory_space<semaphore_mem>> -> memref<!tpu.dma_semaphore, #tpu.memory_space<semaphore_mem>>
    %dma_wait3A_291 = arith.constant 0 : i32
    %dma_wait3A_292 = tpu.memref_slice %arg4[%add3A_280, %dma_wait3A_291] : memref<204800x128xf32, #tpu.memory_space<hbm>> -> memref<64x128xf32, #tpu.memory_space<hbm>>
    %dma_wait3A_293 = arith.constant 0 : i32
    %dma_wait3A_294 = arith.constant 0 : i32
    %dma_wait3A_295 = tpu.memref_slice %arg6[%dma_wait3A_281, %dma_wait3A_293, %dma_wait3A_294] : memref<10x64x128xf32, #tpu.memory_space<vmem>> -> memref<1x64x128xf32, #tpu.memory_space<vmem>>
    %dma_wait3A_296 = tpu.memref_squeeze %dma_wait3A_295 : memref<1x64x128xf32, #tpu.memory_space<vmem>> -> memref<64x128xf32, #tpu.memory_space<vmem>>
    tpu.wait_dma2 semaphore(%dma_wait3A_290 : memref<!tpu.dma_semaphore, #tpu.memory_space<semaphore_mem>>) src(%dma_wait3A_296 : memref<64x128xf32, #tpu.memory_space<vmem>>) dst(%dma_wait3A_292 : memref<64x128xf32, #tpu.memory_space<hbm>>)
    %add3A_297 = arith.constant 6336 : i32
    %add3A_298 = arith.addi %mul3A_2, %add3A_297 : i32
    %dma_wait3A_299 = arith.constant 9 : i32
    %dma_wait3A_300 = arith.constant 9 : i32
    %dma_wait3A_301 = arith.constant 0 : i32
    %dma_wait3A_302 = arith.constant 0 : i32
    %dma_wait3A_303 = tpu.memref_slice %arg6[%dma_wait3A_299, %dma_wait3A_301, %dma_wait3A_302] : memref<10x64x128xf32, #tpu.memory_space<vmem>> -> memref<1x64x128xf32, #tpu.memory_space<vmem>>
    %dma_wait3A_304 = tpu.memref_squeeze %dma_wait3A_303 : memref<1x64x128xf32, #tpu.memory_space<vmem>> -> memref<64x128xf32, #tpu.memory_space<vmem>>
    %dma_wait3A_305 = arith.constant 0 : i32
    %dma_wait3A_306 = tpu.memref_slice %arg4[%add3A_298, %dma_wait3A_305] : memref<204800x128xf32, #tpu.memory_space<hbm>> -> memref<64x128xf32, #tpu.memory_space<hbm>>
    %dma_wait3A_307 = tpu.memref_slice %arg8[%dma_wait3A_300] : memref<10x!tpu.dma_semaphore, #tpu.memory_space<semaphore_mem>> -> memref<1x!tpu.dma_semaphore, #tpu.memory_space<semaphore_mem>>
    %dma_wait3A_308 = tpu.memref_squeeze %dma_wait3A_307 : memref<1x!tpu.dma_semaphore, #tpu.memory_space<semaphore_mem>> -> memref<!tpu.dma_semaphore, #tpu.memory_space<semaphore_mem>>
    %dma_wait3A_309 = arith.constant 0 : i32
    %dma_wait3A_310 = tpu.memref_slice %arg4[%add3A_298, %dma_wait3A_309] : memref<204800x128xf32, #tpu.memory_space<hbm>> -> memref<64x128xf32, #tpu.memory_space<hbm>>
    %dma_wait3A_311 = arith.constant 0 : i32
    %dma_wait3A_312 = arith.constant 0 : i32
    %dma_wait3A_313 = tpu.memref_slice %arg6[%dma_wait3A_299, %dma_wait3A_311, %dma_wait3A_312] : memref<10x64x128xf32, #tpu.memory_space<vmem>> -> memref<1x64x128xf32, #tpu.memory_space<vmem>>
    %dma_wait3A_314 = tpu.memref_squeeze %dma_wait3A_313 : memref<1x64x128xf32, #tpu.memory_space<vmem>> -> memref<64x128xf32, #tpu.memory_space<vmem>>
    tpu.wait_dma2 semaphore(%dma_wait3A_308 : memref<!tpu.dma_semaphore, #tpu.memory_space<semaphore_mem>>) src(%dma_wait3A_314 : memref<64x128xf32, #tpu.memory_space<vmem>>) dst(%dma_wait3A_310 : memref<64x128xf32, #tpu.memory_space<hbm>>)
    return
  }
}

</mosaic_0001>

<sc_bundles>
// kernel: kernel.3.cloned.1.call-start
scs
__scs_entry_jumppad:
0x0: {  	(pc) =	sbr.rel $0x88, $3  }
0x1: {  	(tag) =	ssettag $0x0;
	lr =	simm.s32 $0x1  }
0x2: {  	[smem:$0x3F9E] =	sst lr;
	_ =	strace $0xD0000000  }
0x3: {  	_ = 	snop  }
0x4: {  	_ = 	snop  }
0x5: {  	_ = 	snop  }
0x6: {  	_ = 	snop  }
0x7: {  	_ = 	snop  }
__scs_overlays_trampoline_lowered:
0x8: {  	[smem:$0x3FAD] =	sst s0  }
0x9: {  	[smem:$0x3FAE] =	sst s1  }
0xa: {  	[smem:$0x3FAF] =	sst s2  }
0xb: {  	[smem:$0x3FB0] =	sst s3  }
0xc: {  	[smem:$0x3FB1] =	sst s4  }
0xd: {  	[smem:$0x3FB2] =	sst s5  }
0xe: {  	[smem:$0x3FB3] =	sst s6  }
0xf: {  	[smem:$0x3FB4] =	sst s7  }
0x10: {  	[smem:$0x3FB5] =	sst s8  }
0x11: {  	[smem:$0x3FB6] =	sst s9;
	s0 =	simm.s32 @!p0 $0x0  }
0x12: {  	s1 =	sld [smem:$0x3F9C];
	s0 =	simm.s32 @p0 $0x1  }
0x13: {  	[smem:$0x3FB7] =	sst s0;
	s0 =	simm.s32 @!p1 $0x0  }
0x14: {  	s2 =	sld [smem:$0x3F9B];
	s0 =	simm.s32 @p1 $0x1  }
0x15: {  	[smem:$0x3FB8] =	sst s0;
	s0 =	simm.s32 @!p2 $0x0  }
0x16: {  	s3 =	sld [smem:$0x3FDB];
	s0 =	simm.s32 @p2 $0x1  }
0x17: {  	s4 =	simm.s32 $0x1BF5;
	[smem:$0x3FBA] =	sst s0  }
0x18: {  	s0 =	sld [smem:$0x3F9D];
	_ =	swait.ge [sflag:s4], $0x0  }
0x19: {  	s7 =	sld [smem:$0x3F9E]  }
0x1a: {  	s8 =	sadd.s32 $0xFFFFE003, lr  }
0x1b: {  	s9 =	sadd.s32 $0xFFFFFEF7, lr;
	s5 =	simm.s32 $0xFFFFFFFF;
	p2 =	slt.u32 s8, $0xFFFFF086  }
0x1c: {  	p1 =	slt.u32 s9, $0xF7A;
	s5 =	simm.s32 @!p2 $0x0  }
0x1d: {  	s5 =	simm.s32 @p1 $0x1;
	p0 =	seq.s32 s7, s2  }
0x1e: {  	s7 =	smul.u32 @!p0 $0xF7A, s2;
	p2 =	seq.s32 @!p0 s5, $0x0  }
0x1f: {  	s9 =	smul.u32 $0xF7A, s1;
	s8 =	simm.s32 @!p0 $0x1BF5;
	p2 =	por !p2, p0  }
0x20: {  	[sflag:s8] =	ssyncset.s32 @!p0 $0xFFFFF086;
	s6 =	sadd.s32 @!p0 s3, s7;
	s7 =	simm.s32 @!p0 $0x108  }
0x21: {  	s3 =	sadd.s32 s3, s9;
	s6 =	sadd.s32 @!p0 $0x88, s6;
	s7 =	simm.s32 @p2 $0x1082  }
0x22: {  	[simem:s7], [sflag:s8] =	dma.local @!p0 [hbm:s6], $0xF7A  }
0x23: {  	s9 =	sor.u32 $0xD0000000, s2;
	s6 =	simm.s32 $0x108;
	_ =	swait.ge @!p0 [sflag:s8], $0x0  }
0x24: {  	s3 =	sadd.s32 $0x88, s3;
	s6 =	simm.s32 @!p1 $0x1082;
	[sflag:s4] =	ssyncset.s32 $0xFFFFF086  }
0x25: {  	[simem:s6], [sflag:s4] =	dma.local [hbm:s3], $0xF7A  }
0x26: {  	[smem:$0x3F9E] =	sst s1;
	(tag) =	ssettag s2;
	_ =	strace s9  }
0x27: {  	s1 =	sld [smem:$0x3FAE]  }
0x28: {  	s2 =	sld [smem:$0x3FAF]  }
0x29: {  	s4 =	sld [smem:$0x3FB1]  }
0x2a: {  	p0 =	seq.s32 s5, $0x0;
	s5 =	sld [smem:$0x3FB2]  }
0x2b: {  	s6 =	sld [smem:$0x3FB3]  }
0x2c: {  	s7 =	sld [smem:$0x3FB4]  }
0x2d: {  	s3 =	simm.s32 $0x108;
	s8 =	sld [smem:$0x3FB5]  }
0x2e: {  	s3 =	simm.s32 @!p0 $0x1082;
	s9 =	sld [smem:$0x3FB6]  }
0x2f: {  	lr =	sadd.s32 s0, s3;
	s0 =	sld [smem:$0x3FAD]  }
0x30: {  	s3 =	sld [smem:$0x3FB0]  }
0x31: {  	[smem:$0x3FB9] =	sst s10  }
0x32: {  	s10 =	sld [smem:$0x3FB7];
	_ =	sdelay $0x3  }
0x33: {  	p0 =	seq.s32 s10, $0x1;
	s10 =	sld [smem:$0x3FB9];
	_ =	sdelay $0x3  }
0x34: {  	[smem:$0x3FB9] =	sst s10  }
0x35: {  	s10 =	sld [smem:$0x3FB8];
	_ =	sdelay $0x3  }
0x36: {  	p1 =	seq.s32 s10, $0x1;
	s10 =	sld [smem:$0x3FB9];
	_ =	sdelay $0x3  }
0x37: {  	[smem:$0x3FB9] =	sst s10  }
0x38: {  	s10 =	sld [smem:$0x3FBA]  }
0x39: {  	_ = 	snop;
	(pc) =	sbr.ind lr, $3  }
0x3a: {  	_ = 	snop  }
0x3b: {  	_ = 	snop  }
0x3c: {  	p2 =	seq.s32 s10, $0x1;
	s10 =	sld [smem:$0x3FB9]  }
0x3d: {  	_ =	shalt  }
0x3e: {  	_ =	shalt  }
0x3f: {  	_ =	shalt  }
0x40: {  	_ =	shalt  }
0x41: {  	_ =	shalt  }
0x42: {  	_ =	shalt  }
0x43: {  	_ =	shalt  }
0x44: {  	_ =	shalt  }
0x45: {  	_ =	shalt  }
0x46: {  	_ =	shalt  }
0x47: {  	_ =	shalt  }
0x48: {  	_ =	shalt  }
0x49: {  	_ =	shalt  }
0x4a: {  	_ =	shalt  }
0x4b: {  	_ =	shalt  }
0x4c: {  	_ =	shalt  }
0x4d: {  	_ =	shalt  }
0x4e: {  	_ =	shalt  }
0x4f: {  	_ =	shalt  }
0x50: {  	_ =	shalt  }
0x51: {  	_ =	shalt  }
0x52: {  	_ =	shalt  }
0x53: {  	_ =	shalt  }
0x54: {  	_ =	shalt  }
0x55: {  	_ =	shalt  }
0x56: {  	_ =	shalt  }
0x57: {  	_ =	shalt  }
0x58: {  	_ =	shalt  }
0x59: {  	_ =	shalt  }
0x5a: {  	_ =	shalt  }
0x5b: {  	_ =	shalt  }
0x5c: {  	_ =	shalt  }
0x5d: {  	_ =	shalt  }
0x5e: {  	_ =	shalt  }
0x5f: {  	_ =	shalt  }
0x60: {  	_ =	shalt  }
0x61: {  	_ =	shalt  }
0x62: {  	_ =	shalt  }
0x63: {  	_ =	shalt  }
0x64: {  	_ =	shalt  }
0x65: {  	_ =	shalt  }
0x66: {  	_ =	shalt  }
0x67: {  	_ =	shalt  }
0x68: {  	_ =	shalt  }
0x69: {  	_ =	shalt  }
0x6a: {  	_ =	shalt  }
0x6b: {  	_ =	shalt  }
0x6c: {  	_ =	shalt  }
0x6d: {  	_ =	shalt  }
0x6e: {  	_ =	shalt  }
0x6f: {  	_ =	shalt  }
0x70: {  	_ =	shalt  }
0x71: {  	_ =	shalt  }
0x72: {  	_ =	shalt  }
0x73: {  	_ =	shalt  }
0x74: {  	_ =	shalt  }
0x75: {  	_ =	shalt  }
0x76: {  	_ =	shalt  }
0x77: {  	_ =	shalt  }
0x78: {  	_ =	shalt  }
0x79: {  	_ =	shalt  }
0x7a: {  	_ =	shalt  }
0x7b: {  	_ =	shalt  }
0x7c: {  	_ =	shalt  }
0x7d: {  	_ =	shalt  }
0x7e: {  	_ =	shalt  }
0x7f: {  	_ =	shalt  }
0x80: {  	_ =	shalt  }
0x81: {  	_ =	shalt  }
0x82: {  	_ =	shalt  }
0x83: {  	_ =	shalt  }
0x84: {  	_ =	shalt  }
0x85: {  	_ =	shalt  }
0x86: {  	_ =	shalt  }
0x87: {  	_ =	shalt  }
.Lfunc_end0:
.L_simem_size_0:
called_computation_lowered:
.L_overlay_start_0:
0x88: {  	s2 =	sld [smem:$0x3FD9]  }
0x89: {  	s3 =	sld [smem:$0x3FFE];
	_ =	sdelay $0x1  }
0x8a: {  	s1 =	srdreg.scid  }
0x8b: {  	s0 =	sand.u32 $0x1, s1  }
0x8c: {  	s15 =	sshll.u32 s0, $0xA;
	s2 =	sadd.s32 s3, s2  }
0x8d: {  	s2 =	sadd.s32 s2, s15  }
0x8e: {  	[smem:$0x3FC5] =	sst s2  }
0x8f: {  	_ = 	snop  }
0x90: {  	s2 =	sld [smem:$0x3FD0];
	_ =	sdelay $0x2  }
0x91: {  	s4 =	simm.s32 $0xA;
	s5 =	simm.s32 $0x10;
	s16 =	sld [smem:$0x3FC7]  }
0x92: {  	[smem:s5], [sflag:s4] =	dma.local [hbm:s2], $0x1  }
0x93: {  	_ =	swait.eq [sflag:s4], $0x1  }
0x94: {  	[sflag:s4] =	ssyncset.done $0x0  }
0x95: {  	s17 =	sld [smem:$0x11];
	[sflag:s4] =	ssyncadd.s32 $0xFFFFFFFF  }
0x96: {  	s18 =	sld [smem:$0x12];
	(tm) =	ssettm $0x1  }
0x97: {  	s19 =	sld [smem:$0x3FFB];
	_ =	sdelay $0x3  }
0x98: {  	_ =	strace s19  }
0x99: {  	s5 =	sld [smem:$0x3FFC];
	_ =	sdelay $0x3  }
0x9a: {  	_ =	strace s5  }
0x9b: {  	s5 =	sld [smem:$0x3FFD];
	_ =	sdelay $0x3  }
0x9c: {  	_ =	strace s5  }
0x9d: {  	_ =	strace $0x8FFFFFFF  }
0x9e: {  	s20 =	sld [smem:$0x3FDB];
	_ =	sdelay $0x1  }
0x9f: {  	s6 =	simm.s32 $_scs_section_size  }
0xa0: {  	s7 =	simm.s32 $_size__tile_overlayer_lowered;
	s8 =	simm.s32 $_tile_overlayer_lowered  }
0xa1: {  	s23 =	simm.s32 $0x1BFF;
	s22 =	sshll.u32 s8, $0x1;
	s5 =	sadd.s32 s6, s20  }
0xa2: {  	s9 =	simm.s32 $0x0;
	s21 =	sshll.u32 s7, $0x1;
	s7 =	sadd.s32 s22, s5  }
0xa3: {  	[timem:s9], [sflag:s23] =	dma.local [hbm:s7], s21  }
0xa4: {  	_ =	swait.ge [sflag:s23], s21  }
0xa5: {  	s6 =	ssub.s32 $0x0, s21;
	[sflag:s23] =	ssyncset.done $0x0  }
0xa6: {  	[sflag:s23] =	ssyncadd.s32 s6;
	_ =	sdelay $0x1  }
0xa7: {  	s24 =	simm.s32 $0x1B8B  }
0xa8: {  	_ =	swait.ge [sflag:s24], $0x1  }
0xa9: {  	[sflag:s24] =	ssyncset.done $0x0  }
0xaa: {  	s25 =	simm.s32 $0x1B8E;
	[sflag:s24] =	ssyncadd.s32 $0xFFFFFFFF  }
0xab: {  	s26 =	simm.s32 $execute0_lowered;
	[smem:$0x3FD2] =	sst s25  }
0xac: {  	s6 =	sshll.u32 s26, $0x1;
	_ =	strace $0x80000046;
	[dreg:$0x1] =	wrdreg $0xFFFFFFFF  }
0xad: {  	s28 =	simm.s32 $_size_execute0_lowered;
	s5 =	sadd.s32 s5, s6;
	[dreg:$0x0] =	wrdreg $0x0  }
0xae: {  	s6 =	sshll.u32 s28, $0x1;
	[dreg:$0x2] =	wrdreg s5  }
0xaf: {  	[dreg:$0x3] =	wrdreg s6  }
0xb0: {  	[dreg:$0x4] =	wrdreg $0xC0  }
0xb1: {  	_ =	task [dreg:s9], $0x5FFFF  }
0xb2: {  	[dreg:$0x1] =	wrdreg $0xFFFFFFFF  }
0xb3: {  	[dreg:$0x0] =	wrdreg $0x60  }
0xb4: {  	[dreg:$0x2] =	wrdreg s16  }
0xb5: {  	[dreg:$0x3] =	wrdreg s18  }
0xb6: {  	[dreg:$0x4] =	wrdreg s17  }
0xb7: {  	[dreg:$0x5] =	wrdreg $0x9  }
0xb8: {  	_ =	task.clear_ibuf [dreg:s9], $0x6FFFF;
	_ =	strace $0x90000046  }
0xb9: {  	s29 =	simm.s32 $0x9;
	_ =	strace $0x80000048  }
0xba: {  	_ =	swait.ge [sflag:s29], $0x1  }
0xbb: {  	[sflag:s29] =	ssyncadd.s32 $0xFFFFFFFF  }
0xbc: {  	_ =	strace $0x90000048  }
0xbd: {  	_ =	sfence  }
0xbe: {  	s30 =	sld [smem:$0x0];
	_ =	sdelay $0x2  }
0xbf: {  	s31 =	sshll.u32 s1, $0xD;
	s1 =	sshrl.u32 s1, $0x2  }
0xc0: {  	s3 =	sand.u32 $0x4000, s31;
	s1 =	sadd.s32 s1, s30  }
0xc1: {  	s0 =	sor.u32 s3, s0;
	s1 =	sshll.u32 s1, $0x11  }
0xc2: {  	s0 =	sor.u32 s1, s0  }
0xc3: {  	s0 =	sadd.s32 $0x8F2B, s0  }
0xc4: {  	[sflag:s0] =	ssyncadd.remote.s32 $0x1  }
0xc5: {  	_ =	sfence.sel $0xFFFF  }
0xc6: {  	[dreg:$0x0] =	wrdreg $0xFFFFFFFF;
	(pc) =	sbr.abs _section_cstart, $3  }
0xc7: {  	[dreg:$0x1] =	wrdreg $0xFFFFFFFF  }
0xc8: {  	_ =	task.clear_ibuf [dreg:s9], $0x2FFFF;
	_ =	strace $0x9FFFFFFF  }
0xc9: {  	(tm) =	ssettm $0x7FFFFFFF  }
tec
execute0_lowered:
.L_overlay_start_1:
0x0: {  	(tag) =	ssettag $0x1  }
0x1: {  	s1 =	rddreg [dreg:$0x0]  }
0x2: {  	s0 =	rddreg [dreg:$0x1]  }
0x3: {  	s2 =	srdreg.scid;
	s9 =	stileid.u32  }
0x4: {  	s4 =	rddreg [dreg:$0x2];
	s3 =	simm.s32 $0x0;
	s13 =	simm.s32 $0x40  }
0x5: {  	s14 =	simm.s32 $0x1900;
	s17 =	simm.s32 $0x5900;
	s21 =	simm.s32 $0x9900  }
0x6: {  	s25 =	simm.s32 $0xD900;
	s30 =	simm.s32 $0x11900;
	s15 =	simm.s32 $0x3  }
0x7: {  	s16 =	simm.s32 $0x5;
	s18 =	simm.s32 $0x7;
	s19 =	simm.s32 $0x9  }
0x8: {  	s20 =	simm.s32 $0xA;
	s2 =	sand.u32 $0x1, s2;
	s5 =	sshll.u32 s9, $0x1  }
0x9: {  	s10 =	simm.s32 $0x14;
	s28 =	smul.u32 $0x32000, s9;
	s5 =	sor.u32 s2, s5  }
0xa: {  	s11 =	simm.s32 $0x0;
	s7 =	ssub.s32 $0x2, s2;
	s6 =	smul.u32 $0x1900, s5  }
0xb: {  	[smem:$0x7FF] =	sst s3;
	s8 =	sshrl.u32 s7, $0x1;
	s5 =	smul.u32 $0x19000, s5  }
0xc: {  	_ =	strace $0x80000047;
	s2 =	smul.u32 $0x19000, s2;
	s7 =	ssub.s32 s7, s8  }
0xd: {  	s6 =	sshrl.u32 s6, $0x3;
	s29 =	smax.u32 s7, $0x1;
	s5 =	sadd.s32 s4, s5  }
0xe: {  	s0 =	sadd.s32 s0, s6;
	[dreg:$0x5] =	wrdreg s29;
	s6 =	sadd.s32 $0x16C00, s5  }
.Ltmp0:
0xf: {  	s7 =	sadd.s32 $0x17400, s5;
	s8 =	sadd.s32 $0x17C00, s5;
	(pc) =	sbr.rel .LBB2_1-.Ltmp0, $4  }
0x10: {  	s9 =	sadd.s32 $0x18400, s5;
	[dreg:$0x4] =	wrdreg s0;
	s0 =	sadd.s32 s28, s4  }
0x11: {  	s31 =	sadd.s32 $0x18C00, s5;
	s5 =	simm.s32 $0x13;
	s0 =	sadd.s32 s2, s0  }
0x12: {  	[dreg:$0x6] =	wrdreg s31;
	s4 =	simm.s32 $0x12;
	s0 =	sadd.s32 $0x2400, s0  }
0x13: {  	s2 =	simm.s32 $0x13900;
	[dreg:$0x7] =	wrdreg s0;
	s0 =	simm.s32 $0x1  }
.LBB2_4:
0x14: {  	_ =	swait.ge [sflag:s20], $0x2000  }
0x15: {  	[sflag:s20] =	ssyncset.done $0x0  }
0x16: {  	s31 =	simm.s32 $0xB;
	s12 =	rddreg [dreg:$0x6];
	[sflag:s20] =	ssyncadd.s32 $0xFFFFE000  }
0x17: {  	[hbm4b:s12+s3] =	stream.linear.scatter [tilespmem:s2], [sflag:$0x14], $0x2000, $0x38;
	[tilespmem:$0x15900] =	vst v63  }
0x18: {  	_ =	swait.ge [sflag:s31], $0x2000  }
0x19: {  	[sflag:s31] =	ssyncset.done $0x0  }
0x1a: {  	s22 =	simm.s32 $0xC;
	[sflag:s31] =	ssyncadd.s32 $0xFFFFE000  }
0x1b: {  	_ =	swait.ge [sflag:s22], $0x2000  }
0x1c: {  	[sflag:s22] =	ssyncset.done $0x0  }
0x1d: {  	s23 =	simm.s32 $0xD;
	[sflag:s22] =	ssyncadd.s32 $0xFFFFE000  }
0x1e: {  	_ =	swait.ge [sflag:s23], $0x2000  }
0x1f: {  	[sflag:s23] =	ssyncset.done $0x0  }
0x20: {  	s24 =	simm.s32 $0xE;
	[sflag:s23] =	ssyncadd.s32 $0xFFFFE000  }
0x21: {  	_ =	swait.ge [sflag:s24], $0x2000  }
0x22: {  	[sflag:s24] =	ssyncset.done $0x0  }
0x23: {  	s26 =	simm.s32 $0xF;
	[sflag:s24] =	ssyncadd.s32 $0xFFFFE000  }
0x24: {  	_ =	swait.ge [sflag:s26], $0x2000  }
0x25: {  	[sflag:s26] =	ssyncset.done $0x0  }
0x26: {  	s28 =	simm.s32 $0x10;
	[sflag:s26] =	ssyncadd.s32 $0xFFFFE000  }
0x27: {  	_ =	swait.ge [sflag:s28], $0x2000  }
0x28: {  	[sflag:s28] =	ssyncset.done $0x0  }
0x29: {  	s29 =	simm.s32 $0x11;
	[sflag:s28] =	ssyncadd.s32 $0xFFFFE000  }
0x2a: {  	_ =	swait.ge [sflag:s29], $0x2000  }
0x2b: {  	[sflag:s29] =	ssyncset.done $0x0  }
0x2c: {  	[sflag:s29] =	ssyncadd.s32 $0xFFFFE000  }
0x2d: {  	_ =	swait.ge [sflag:s4], $0x2000  }
0x2e: {  	[sflag:s4] =	ssyncset.done $0x0  }
0x2f: {  	[sflag:s4] =	ssyncadd.s32 $0xFFFFE000  }
0x30: {  	_ =	swait.ge [sflag:s5], $0x2000  }
0x31: {  	[sflag:s5] =	ssyncset.done $0x0  }
0x32: {  	[sflag:s5] =	ssyncadd.s32 $0xFFFFE000  }
0x33: {  	_ =	swait.ge [sflag:s10], $0x2000  }
0x34: {  	s11 =	sadd.s32 $0x1, s11;
	s31 =	rddreg [dreg:$0x5]  }
0x35: {  	p0 =	sne.s32 s11, s31  }
.Ltmp1:
0x36: {  	_ = 	snop;
	(pc) =	sbr.rel @!p0 .LBB2_5-.Ltmp1, $3  }
0x37: {  	_ =	sdelay $0x1  }
0x38: {  	[sflag:s10] =	ssyncset.done $0x0  }
0x39: {  	[sflag:s10] =	ssyncadd.s32 $0xFFFFE000  }
.LBB2_1:
0x3a: {  	s12 =	rddreg [dreg:$0x4];
	s24 =	simm.s32 $0x15  }
0x3b: {  	[tilespmem:s3], [sflag:$0x15] =	stream.linear.gather [hbm4b:s12+s3], $0x1900, $0x38;
	[tilespmem:$0x15900] =	vst v63  }
0x3c: {  	_ =	swait.ge [sflag:s24], $0x1900  }
0x3d: {  	[sflag:s24] =	ssyncset.done $0x0  }
0x3e: {  	[sflag:s24] =	ssyncadd.s32 $0xFFFFE700  }
0x3f: {  	[tilespmem:s14], [sflag:$0x1] =	stream.indirect.gather [hbm4b:s1+s13], $0x80, s3, s13, $0xb8;
	[tilespmem:$0x15900] =	vst v63  }
0x40: {  	s26 =	simm.s32 $0x3900  }
0x41: {  	[tilespmem:s26], [sflag:$0x2] =	stream.indirect.gather [hbm4b:s1+s13], $0x80, s13, s13, $0xb8;
	[tilespmem:$0x15900] =	vst v63  }
0x42: {  	s28 =	simm.s32 $0x80  }
0x43: {  	[tilespmem:s17], [sflag:$0x3] =	stream.indirect.gather [hbm4b:s1+s13], $0x80, s28, s13, $0xb8;
	[tilespmem:$0x15900] =	vst v63  }
0x44: {  	s29 =	simm.s32 $0xC0;
	s22 =	simm.s32 $0x7900  }
0x45: {  	[tilespmem:s22], [sflag:$0x4] =	stream.indirect.gather [hbm4b:s1+s13], $0x80, s29, s13, $0xb8;
	[tilespmem:$0x15900] =	vst v63  }
0x46: {  	s31 =	simm.s32 $0x100  }
0x47: {  	[tilespmem:s21], [sflag:$0x5] =	stream.indirect.gather [hbm4b:s1+s13], $0x80, s31, s13, $0xb8;
	[tilespmem:$0x15900] =	vst v63  }
0x48: {  	s23 =	simm.s32 $0xB900;
	s22 =	simm.s32 $0x140  }
0x49: {  	[tilespmem:s23], [sflag:$0x6] =	stream.indirect.gather [hbm4b:s1+s13], $0x80, s22, s13, $0xb8;
	[tilespmem:$0x15900] =	vst v63  }
0x4a: {  	s24 =	simm.s32 $0x180  }
0x4b: {  	[tilespmem:s25], [sflag:$0x7] =	stream.indirect.gather [hbm4b:s1+s13], $0x80, s24, s13, $0xb8;
	[tilespmem:$0x15900] =	vst v63  }
0x4c: {  	s26 =	simm.s32 $0x1C0;
	s28 =	simm.s32 $0xF900  }
0x4d: {  	[tilespmem:s28], [sflag:$0x8] =	stream.indirect.gather [hbm4b:s1+s13], $0x80, s26, s13, $0xb8;
	[tilespmem:$0x15900] =	vst v63  }
0x4e: {  	s29 =	simm.s32 $0x200  }
0x4f: {  	[tilespmem:s30], [sflag:$0x9] =	stream.indirect.gather [hbm4b:s1+s13], $0x80, s29, s13, $0xb8;
	[tilespmem:$0x15900] =	vst v63  }
0x50: {  	s12 =	rddreg [dreg:$0x7];
	s31 =	simm.s32 $0x240;
	s22 =	simm.s32 $0x0  }
0x51: {  	[tilespmem:s2], [sflag:$0xA] =	stream.indirect.gather [hbm4b:s1+s13], $0x80, s31, s13, $0xb8;
	[tilespmem:$0x15900] =	vst v63  }
.LBB2_2:
0x52: {  	_ =	swait.ge [sflag:s0], $0x2000  }
0x53: {  	[sflag:s0] =	ssyncset.done $0x0  }
0x54: {  	s23 =	sadd.s32 $0xFFFFDC00, s12;
	p0 =	seq.s32 s22, $0x5A00;
	[sflag:s0] =	ssyncadd.s32 $0xFFFFE000  }
0x55: {  	[hbm4b:s23+s3] =	stream.linear.scatter [tilespmem:s14], [sflag:$0xB], $0x2000, $0x38;
	[tilespmem:$0x15900] =	vst v63  }
0x56: {  	s23 =	simm.s32 @p0 $0x2  }
0x57: {  	_ =	swait.ge @p0 [sflag:s23], $0x2000  }
0x58: {  	[sflag:s23] =	ssyncset.done @p0 $0x0  }
0x59: {  	s26 =	simm.s32 @p0 $0x0;
	[sflag:s23] =	ssyncadd.s32 @p0 $0xFFFFE000;
	s23 =	simm.s32 @p0 $0x3900  }
0x5a: {  	[hbm4b:s6+s26] =	stream.linear.scatter @p0 [tilespmem:s23], [sflag:$0xC], $0x2000, $0x38;
	[tilespmem:$0x15900] =	vst v63  }
0x5b: {  	s23 =	simm.s32 @!p0 $0xB  }
0x5c: {  	_ =	swait.ge @!p0 [sflag:s23], $0x2000  }
0x5d: {  	[sflag:s23] =	ssyncset.done @!p0 $0x0  }
0x5e: {  	[sflag:s23] =	ssyncadd.s32 @!p0 $0xFFFFE000;
	s23 =	sshra.s32 @!p0 s22, $0x2  }
0x5f: {  	s24 =	simm.s32 @!p0 $0x40;
	s29 =	simm.s32 @!p0 $0x1900;
	s28 =	sadd.s32 @!p0 $0x280, s23  }
0x60: {  	[tilespmem:s29], [sflag:$0x1] =	stream.indirect.gather @!p0 [hbm4b:s1+s24], $0x80, s28, s24, $0xb8;
	[tilespmem:$0x15900] =	vst v63  }
0x61: {  	s28 =	simm.s32 @!p0 $0x2  }
0x62: {  	_ =	swait.ge @!p0 [sflag:s28], $0x2000  }
0x63: {  	s31 =	simm.s32 @!p0 $0x3900;
	[sflag:s28] =	ssyncset.done @!p0 $0x0  }
0x64: {  	s29 =	sadd.s32 @!p0 $0xFFFFE000, s12;
	[sflag:s28] =	ssyncadd.s32 @!p0 $0xFFFFE000;
	s28 =	simm.s32 @!p0 $0x0  }
0x65: {  	[hbm4b:s29+s28] =	stream.linear.scatter @!p0 [tilespmem:s31], [sflag:$0xC], $0x2000, $0x38;
	[tilespmem:$0x15900] =	vst v63  }
0x66: {  	s29 =	simm.s32 @!p0 $0xC  }
0x67: {  	_ =	swait.ge @!p0 [sflag:s29], $0x2000  }
0x68: {  	[sflag:s29] =	ssyncset.done @!p0 $0x0  }
0x69: {  	[sflag:s29] =	ssyncadd.s32 @!p0 $0xFFFFE000;
	s29 =	sadd.s32 @!p0 $0x2C0, s23  }
0x6a: {  	[tilespmem:s31], [sflag:$0x2] =	stream.indirect.gather @!p0 [hbm4b:s1+s24], $0x80, s29, s24, $0xb8;
	[tilespmem:$0x15900] =	vst v63  }
0x6b: {  	_ =	swait.ge [sflag:s15], $0x2000  }
0x6c: {  	[sflag:s15] =	ssyncset.done $0x0  }
0x6d: {  	s31 =	sadd.s32 $0xFFFFE400, s12;
	s29 =	simm.s32 @p0 $0x4;
	[sflag:s15] =	ssyncadd.s32 $0xFFFFE000  }
0x6e: {  	[hbm4b:s31+s3] =	stream.linear.scatter [tilespmem:s17], [sflag:$0xD], $0x2000, $0x38;
	[tilespmem:$0x15900] =	vst v63  }
0x6f: {  	_ =	swait.ge @p0 [sflag:s29], $0x2000  }
0x70: {  	[sflag:s29] =	ssyncset.done @p0 $0x0  }
0x71: {  	[sflag:s29] =	ssyncadd.s32 @p0 $0xFFFFE000;
	s29 =	simm.s32 @p0 $0x7900  }
0x72: {  	[hbm4b:s7+s26] =	stream.linear.scatter @p0 [tilespmem:s29], [sflag:$0xE], $0x2000, $0x38;
	[tilespmem:$0x15900] =	vst v63  }
0x73: {  	s29 =	simm.s32 @!p0 $0xD  }
0x74: {  	_ =	swait.ge @!p0 [sflag:s29], $0x2000  }
0x75: {  	[sflag:s29] =	ssyncset.done @!p0 $0x0  }
0x76: {  	s31 =	simm.s32 @!p0 $0x5900;
	[sflag:s29] =	ssyncadd.s32 @!p0 $0xFFFFE000;
	s29 =	sadd.s32 @!p0 $0x300, s23  }
0x77: {  	[tilespmem:s31], [sflag:$0x3] =	stream.indirect.gather @!p0 [hbm4b:s1+s24], $0x80, s29, s24, $0xb8;
	[tilespmem:$0x15900] =	vst v63  }
0x78: {  	s29 =	simm.s32 @!p0 $0x4  }
0x79: {  	_ =	swait.ge @!p0 [sflag:s29], $0x2000  }
0x7a: {  	[sflag:s29] =	ssyncset.done @!p0 $0x0  }
0x7b: {  	s31 =	simm.s32 @!p0 $0x7900;
	[sflag:s29] =	ssyncadd.s32 @!p0 $0xFFFFE000;
	s29 =	sadd.s32 @!p0 $0xFFFFE800, s12  }
0x7c: {  	[hbm4b:s29+s28] =	stream.linear.scatter @!p0 [tilespmem:s31], [sflag:$0xE], $0x2000, $0x38;
	[tilespmem:$0x15900] =	vst v63  }
0x7d: {  	s29 =	simm.s32 @!p0 $0xE  }
0x7e: {  	_ =	swait.ge @!p0 [sflag:s29], $0x2000  }
0x7f: {  	[sflag:s29] =	ssyncset.done @!p0 $0x0  }
0x80: {  	[sflag:s29] =	ssyncadd.s32 @!p0 $0xFFFFE000;
	s29 =	sadd.s32 @!p0 $0x340, s23  }
0x81: {  	[tilespmem:s31], [sflag:$0x4] =	stream.indirect.gather @!p0 [hbm4b:s1+s24], $0x80, s29, s24, $0xb8;
	[tilespmem:$0x15900] =	vst v63  }
0x82: {  	_ =	swait.ge [sflag:s16], $0x2000  }
0x83: {  	[sflag:s16] =	ssyncset.done $0x0  }
0x84: {  	s31 =	sadd.s32 $0xFFFFEC00, s12;
	s29 =	simm.s32 @p0 $0x6;
	[sflag:s16] =	ssyncadd.s32 $0xFFFFE000  }
0x85: {  	[hbm4b:s31+s3] =	stream.linear.scatter [tilespmem:s21], [sflag:$0xF], $0x2000, $0x38;
	[tilespmem:$0x15900] =	vst v63  }
0x86: {  	_ =	swait.ge @p0 [sflag:s29], $0x2000  }
0x87: {  	[sflag:s29] =	ssyncset.done @p0 $0x0  }
0x88: {  	[sflag:s29] =	ssyncadd.s32 @p0 $0xFFFFE000;
	s29 =	simm.s32 @p0 $0xB900  }
0x89: {  	[hbm4b:s8+s26] =	stream.linear.scatter @p0 [tilespmem:s29], [sflag:$0x10], $0x2000, $0x38;
	[tilespmem:$0x15900] =	vst v63  }
0x8a: {  	s29 =	simm.s32 @!p0 $0xF  }
0x8b: {  	_ =	swait.ge @!p0 [sflag:s29], $0x2000  }
0x8c: {  	[sflag:s29] =	ssyncset.done @!p0 $0x0  }
0x8d: {  	s31 =	simm.s32 @!p0 $0x9900;
	[sflag:s29] =	ssyncadd.s32 @!p0 $0xFFFFE000;
	s29 =	sadd.s32 @!p0 $0x380, s23  }
0x8e: {  	[tilespmem:s31], [sflag:$0x5] =	stream.indirect.gather @!p0 [hbm4b:s1+s24], $0x80, s29, s24, $0xb8;
	[tilespmem:$0x15900] =	vst v63  }
0x8f: {  	s29 =	simm.s32 @!p0 $0x6  }
0x90: {  	_ =	swait.ge @!p0 [sflag:s29], $0x2000  }
0x91: {  	[sflag:s29] =	ssyncset.done @!p0 $0x0  }
0x92: {  	s31 =	simm.s32 @!p0 $0xB900;
	[sflag:s29] =	ssyncadd.s32 @!p0 $0xFFFFE000;
	s29 =	sadd.s32 @!p0 $0xFFFFF000, s12  }
0x93: {  	[hbm4b:s29+s28] =	stream.linear.scatter @!p0 [tilespmem:s31], [sflag:$0x10], $0x2000, $0x38;
	[tilespmem:$0x15900] =	vst v63  }
0x94: {  	s29 =	simm.s32 @!p0 $0x10  }
0x95: {  	_ =	swait.ge @!p0 [sflag:s29], $0x2000  }
0x96: {  	[sflag:s29] =	ssyncset.done @!p0 $0x0  }
0x97: {  	[sflag:s29] =	ssyncadd.s32 @!p0 $0xFFFFE000;
	s29 =	sadd.s32 @!p0 $0x3C0, s23  }
0x98: {  	[tilespmem:s31], [sflag:$0x6] =	stream.indirect.gather @!p0 [hbm4b:s1+s24], $0x80, s29, s24, $0xb8;
	[tilespmem:$0x15900] =	vst v63  }
0x99: {  	_ =	swait.ge [sflag:s18], $0x2000  }
0x9a: {  	[sflag:s18] =	ssyncset.done $0x0  }
0x9b: {  	s31 =	sadd.s32 $0xFFFFF400, s12;
	s29 =	simm.s32 @p0 $0x8;
	[sflag:s18] =	ssyncadd.s32 $0xFFFFE000  }
0x9c: {  	[hbm4b:s31+s3] =	stream.linear.scatter [tilespmem:s25], [sflag:$0x11], $0x2000, $0x38;
	[tilespmem:$0x15900] =	vst v63  }
0x9d: {  	_ =	swait.ge @p0 [sflag:s29], $0x2000  }
0x9e: {  	[sflag:s29] =	ssyncset.done @p0 $0x0  }
0x9f: {  	[sflag:s29] =	ssyncadd.s32 @p0 $0xFFFFE000;
	s29 =	simm.s32 @p0 $0xF900  }
0xa0: {  	[hbm4b:s9+s26] =	stream.linear.scatter @p0 [tilespmem:s29], [sflag:$0x12], $0x2000, $0x38;
	[tilespmem:$0x15900] =	vst v63  }
0xa1: {  	s26 =	simm.s32 @!p0 $0x11  }
0xa2: {  	_ =	swait.ge @!p0 [sflag:s26], $0x2000  }
0xa3: {  	[sflag:s26] =	ssyncset.done @!p0 $0x0  }
0xa4: {  	s29 =	simm.s32 @!p0 $0xD900;
	[sflag:s26] =	ssyncadd.s32 @!p0 $0xFFFFE000;
	s26 =	sadd.s32 @!p0 $0x400, s23  }
0xa5: {  	[tilespmem:s29], [sflag:$0x7] =	stream.indirect.gather @!p0 [hbm4b:s1+s24], $0x80, s26, s24, $0xb8;
	[tilespmem:$0x15900] =	vst v63  }
0xa6: {  	s26 =	simm.s32 @!p0 $0x8  }
0xa7: {  	_ =	swait.ge @!p0 [sflag:s26], $0x2000  }
0xa8: {  	[sflag:s26] =	ssyncset.done @!p0 $0x0  }
0xa9: {  	s29 =	simm.s32 @!p0 $0xF900;
	[sflag:s26] =	ssyncadd.s32 @!p0 $0xFFFFE000;
	s26 =	sadd.s32 @!p0 $0xFFFFF800, s12  }
0xaa: {  	[hbm4b:s26+s28] =	stream.linear.scatter @!p0 [tilespmem:s29], [sflag:$0x12], $0x2000, $0x38;
	[tilespmem:$0x15900] =	vst v63  }
0xab: {  	s26 =	simm.s32 @!p0 $0x12  }
0xac: {  	_ =	swait.ge @!p0 [sflag:s26], $0x2000  }
0xad: {  	[sflag:s26] =	ssyncset.done @!p0 $0x0  }
0xae: {  	s23 =	sadd.s32 @!p0 $0x440, s23;
	[sflag:s26] =	ssyncadd.s32 @!p0 $0xFFFFE000  }
0xaf: {  	[tilespmem:s29], [sflag:$0x8] =	stream.indirect.gather @!p0 [hbm4b:s1+s24], $0x80, s23, s24, $0xb8;
	[tilespmem:$0x15900] =	vst v63  }
.Ltmp2:
0xb0: {  	_ = 	snop;
	(pc) =	sbr.rel @p0 .LBB2_4-.Ltmp2, $4  }
0xb1: {  	_ =	swait.ge [sflag:s19], $0x2000  }
0xb2: {  	[sflag:s19] =	ssyncset.done $0x0  }
0xb3: {  	s31 =	sadd.s32 $0xFFFFFC00, s12;
	[sflag:s19] =	ssyncadd.s32 $0xFFFFE000  }
0xb4: {  	[hbm4b:s31+s3] =	stream.linear.scatter [tilespmem:s30], [sflag:$0x13], $0x2000, $0x38;
	[tilespmem:$0x15900] =	vst v63  }
0xb5: {  	_ =	swait.ge [sflag:s5], $0x2000  }
0xb6: {  	s23 =	sshra.s32 s22, $0x2;
	[sflag:s5] =	ssyncset.done $0x0  }
0xb7: {  	s24 =	sadd.s32 $0x480, s23;
	[sflag:s5] =	ssyncadd.s32 $0xFFFFE000  }
0xb8: {  	[tilespmem:s30], [sflag:$0x9] =	stream.indirect.gather [hbm4b:s1+s13], $0x80, s24, s13, $0xb8;
	[tilespmem:$0x15900] =	vst v63  }
0xb9: {  	_ =	swait.ge [sflag:s20], $0x2000  }
0xba: {  	[sflag:s20] =	ssyncset.done $0x0  }
0xbb: {  	[sflag:s20] =	ssyncadd.s32 $0xFFFFE000  }
0xbc: {  	[hbm4b:s12+s3] =	stream.linear.scatter [tilespmem:s2], [sflag:$0x14], $0x2000, $0x38;
	[tilespmem:$0x15900] =	vst v63  }
.Ltmp3:
0xbd: {  	_ = 	snop;
	(pc) =	sbr.rel .LBB2_2-.Ltmp3, $4  }
0xbe: {  	_ =	swait.ge [sflag:s10], $0x2000  }
0xbf: {  	s22 =	sadd.s32 $0xA00, s22;
	[sflag:s10] =	ssyncset.done $0x0  }
0xc0: {  	s23 =	sadd.s32 $0x4C0, s23;
	s12 =	sadd.s32 $0x2800, s12;
	[sflag:s10] =	ssyncadd.s32 $0xFFFFE000  }
0xc1: {  	[tilespmem:s2], [sflag:$0xA] =	stream.indirect.gather [hbm4b:s1+s13], $0x80, s23, s13, $0xb8;
	[tilespmem:$0x15900] =	vst v63  }
.LBB2_5:
0xc2: {  	_ =	sfence.sel $0x180000  }
0xc3: {  	[bflag:$0x0] =	sbarrier.arrive $0xFFFF  }
0xc4: {  	_ =	strace $0x90000047  }
0xc5: {  	s0 =	stileid.u32;
	[bflag:$0x2] =	sbarrier.arrive $0xFFFF  }
0xc6: {  	p0 =	sne.s32 s0, $0x0;
	s0 =	rddreg [dreg:$0x3]  }
0xc7: {  	s0 =	sadd.s32 @!p0 $0x100000, s0  }
0xc8: {  	[sflag:s0] =	ssyncadd.tile.s32 @!p0 $0x1;
	_ =	shalt  }
.Lfunc_end2:
_tile_overlayer_lowered:
.L_overlay_start_2:
0xc9: {  	(tag) =	ssettag $0x2  }
0xca: {  	s0 =	rddreg [dreg:$0x0];
	s2 =	stileid.u32  }
0xcb: {  	s1 =	rddreg [dreg:$0x1];
	p0 =	sne.s32 s2, $0x0  }
0xcc: {  	s3 =	rddreg [dreg:$0x2];
	[bflag:$0x3] =	sbarrier.arrive $0xFFFF;
	s2 =	simm.s32 @!p0 $0x1C15  }
0xcd: {  	[timem:s3], [sflag:s2] =	dma.local @!p0 [hbm:s0], s1  }
0xce: {  	s0 =	simm.s32 @!p0 $0x15  }
0xcf: {  	_ =	swait.ge @!p0 [sflag:s0], s1  }
0xd0: {  	s1 =	ssub.s32 @!p0 $0x0, s1;
	[sflag:s0] =	ssyncset.done @!p0 $0x0  }
0xd1: {  	[sflag:s0] =	ssyncadd.s32 @!p0 s1  }
0xd2: {  	[bflag:$0x3] =	sbarrier.arrive $0xFFFF  }
0xd3: {  	_ =	shalt  }

</sc_bundles>
